<compile_context>
chip_gen: v7x
topology: tpu7x:2x2x1
jax: 0.10.2.dev20260603
libtpu: 0.0.44.dev20260713+nightly
codegen_flags: <defaults>
</compile_context>

<pallas_src>
import jax
import jax.numpy as jnp
from jax.experimental import pallas as pl
from jax.experimental.pallas import tpu as pltpu

E = 64
D = 1024
DFF = 4096
BLK = 128
DFFT = 2048
K = DFF // DFFT


def _ffn_seg_kernel(seg_e, seg_k, seg_b, seg_r0, seg_r1,
                    x_ref, cent_ref, lns_ref, lnb_ref,
                    w1_ref, b1_ref, w2a_ref, w2b_ref, b2_ref,
                    out_ref, acc_scr):
    t = pl.program_id(0)
    k = seg_k[t]
    row0 = seg_b[t] * BLK

    x = x_ref[...]
    mu = jnp.mean(x, axis=1, keepdims=True)
    var = jnp.mean((x - mu) * (x - mu), axis=1, keepdims=True)
    xn = (x - mu) * jax.lax.rsqrt(var + 1e-5)
    xn = xn * lns_ref[0, 0][None, :] + lnb_ref[0, 0][None, :]
    xn = xn.astype(jnp.bfloat16)

    w1 = w1_ref[0].astype(jnp.bfloat16)
    b1 = b1_ref[0, 0]
    h = jax.lax.dot_general(xn, w1, (((1,), (1,)), ((), ())),
                            preferred_element_type=jnp.float32)
    h = jnp.maximum(h + b1[None, :], 0.0).astype(jnp.bfloat16)
    w2a = w2a_ref[0, 0].astype(jnp.bfloat16)
    w2b = w2b_ref[0, 0].astype(jnp.bfloat16)
    part_a = jax.lax.dot_general(h, w2a, (((1,), (1,)), ((), ())),
                                 preferred_element_type=jnp.float32)
    part_b = jax.lax.dot_general(h, w2b, (((1,), (1,)), ((), ())),
                                 preferred_element_type=jnp.float32)

    @pl.when(k == 0)
    def _():
        acc_scr[pl.ds(row0, BLK), 0:D // 2] = part_a
        acc_scr[pl.ds(row0, BLK), D // 2:D] = part_b

    @pl.when(k != 0)
    def _():
        acc_scr[pl.ds(row0, BLK), 0:D // 2] += part_a
        acc_scr[pl.ds(row0, BLK), D // 2:D] += part_b

    @pl.when(k == K - 1)
    def _():
        c = cent_ref[0, 0]
        logit = jnp.sum(x * c[None, :], axis=1, keepdims=True)
        alpha = jax.nn.sigmoid(logit)
        y = x + alpha * (acc_scr[pl.ds(row0, BLK), :] + b2_ref[0, 0][None, :])
        rows = jax.lax.broadcasted_iota(jnp.int32, (BLK, 1), 0)
        mask = (rows >= seg_r0[t]) & (rows < seg_r1[t])
        out_ref[pl.ds(row0, BLK), :] = jnp.where(
            mask, y, out_ref[pl.ds(row0, BLK), :])


def _expert_ffn(routed, seg_e, seg_k, seg_b, seg_r0, seg_r1,
                expert_centroids, ln_scale, ln_bias, W1, b1, W2, b2):
    T = routed.shape[0]
    nstep = seg_e.shape[0]
    cent3 = expert_centroids.reshape(E, 1, D)
    lns3 = ln_scale.reshape(E, 1, D)
    lnb3 = ln_bias.reshape(E, 1, D)
    b1_3 = b1.reshape(E, 1, DFF)
    b2_3 = b2.reshape(E, 1, D)

    grid_spec = pltpu.PrefetchScalarGridSpec(
        num_scalar_prefetch=5,
        grid=(nstep,),
        in_specs=[
            pl.BlockSpec((BLK, D), lambda t, se, sk, sb, r0, r1: (sb[t], 0)),
            pl.BlockSpec((1, 1, D), lambda t, se, sk, sb, r0, r1: (se[t], 0, 0)),
            pl.BlockSpec((1, 1, D), lambda t, se, sk, sb, r0, r1: (se[t], 0, 0)),
            pl.BlockSpec((1, 1, D), lambda t, se, sk, sb, r0, r1: (se[t], 0, 0)),
            pl.BlockSpec((1, DFFT, D), lambda t, se, sk, sb, r0, r1: (se[t], sk[t], 0)),
            pl.BlockSpec((1, 1, DFFT), lambda t, se, sk, sb, r0, r1: (se[t], 0, sk[t])),
            pl.BlockSpec((1, 1, D // 2, DFFT),
                         lambda t, se, sk, sb, r0, r1: (se[t], 0, 0, sk[t])),
            pl.BlockSpec((1, 1, D // 2, DFFT),
                         lambda t, se, sk, sb, r0, r1: (se[t], 1, 0, sk[t])),
            pl.BlockSpec((1, 1, D), lambda t, se, sk, sb, r0, r1: (se[t], 0, 0)),
        ],
        out_specs=pl.BlockSpec((T, D), lambda t, se, sk, sb, r0, r1: (0, 0)),
        scratch_shapes=[pltpu.VMEM((T, D), jnp.float32)],
    )
    W2r = W2.reshape(E, 2, D // 2, DFF)
    return pl.pallas_call(
        _ffn_seg_kernel,
        grid_spec=grid_spec,
        out_shape=jax.ShapeDtypeStruct((T, D), jnp.float32),
        compiler_params=pltpu.CompilerParams(
            dimension_semantics=("arbitrary",),
            vmem_limit_bytes=64 * 1024 * 1024,
        ),
    )(seg_e, seg_k, seg_b, seg_r0, seg_r1,
      routed, cent3, lns3, lnb3, W1, b1_3, W2r, W2r, b2_3)


def kernel(input_features, expert_centroids, ln_scale, ln_bias, W1, b1, W2, b2):
    shape = input_features.shape
    x = input_features.reshape(-1, shape[-1])
    T = x.shape[0]
    nseg = (T // BLK) + E - 1
    nstep = K * nseg

    scores = x @ expert_centroids.T
    tok_e = jnp.argmax(scores, axis=1).astype(jnp.int32)
    order = jnp.argsort(tok_e).astype(jnp.int32)
    routed = x[order]

    counts = jnp.bincount(tok_e, length=E)
    off = jnp.concatenate([jnp.zeros((1,), jnp.int32),
                           jnp.cumsum(counts).astype(jnp.int32)])
    cnt = off[1:] - off[:-1]
    fb = off[:-1] // BLK
    lb = jnp.where(cnt > 0, (off[1:] - 1) // BLK, fb - 1)
    m = jnp.where(cnt > 0, lb - fb + 1, 0)
    cumf = jnp.cumsum(K * m).astype(jnp.int32)
    flat_start = jnp.concatenate([jnp.zeros((1,), jnp.int32), cumf])
    total = flat_start[E]

    t_idx = jnp.arange(nstep, dtype=jnp.int32)
    e_t = jnp.searchsorted(cumf, t_idx, side='right').astype(jnp.int32)
    e_t = jnp.minimum(e_t, E - 1)
    local = t_idx - flat_start[e_t]
    m_t = jnp.maximum(m[e_t], 1)
    k_t = local // m_t
    b_t = fb[e_t] + (local % m_t)
    r0 = jnp.maximum(off[e_t], b_t * BLK) - b_t * BLK
    r1 = jnp.minimum(off[e_t + 1], (b_t + 1) * BLK) - b_t * BLK
    valid = t_idx < total
    last = jnp.maximum(total - 1, 0)
    e_t = jnp.where(valid, e_t, e_t[last]).astype(jnp.int32)
    k_t = jnp.where(valid, k_t, K - 1).astype(jnp.int32)
    b_t = jnp.where(valid, b_t, b_t[last]).astype(jnp.int32)
    r0 = jnp.where(valid, r0, 0).astype(jnp.int32)
    r1 = jnp.where(valid, r1, 0).astype(jnp.int32)

    out_sorted = _expert_ffn(routed, e_t, k_t, b_t, r0, r1,
                             expert_centroids, ln_scale, ln_bias, W1, b1, W2, b2)

    inv = jnp.zeros((T,), jnp.int32).at[order].set(
        jnp.arange(T, dtype=jnp.int32))
    result = out_sorted[inv]
    return result.reshape(shape)

# --- scband reference (transcript-rebuilt; emitter-appended) ---
"""Pipeline reference for scband-base-layer-48369921688085 (READ-ONLY COPY).

The authoritative reference and input builder live on the scoring server;
editing this copy changes nothing except your own understanding.
"""

import jax, jax.numpy as jnp
import numpy as np

E = 64
D = 1024
DFF = 4096
B = 1
S = 2048


def layer_norm(x, scale, bias):
    mu = jnp.mean(x, axis=-1, keepdims=True)
    var = jnp.var(x, axis=-1, keepdims=True)
    return (x - mu) / jnp.sqrt(var + 1e-5) * scale + bias


def setup_inputs(seed: int = 0):
    key = jax.random.key(seed)
    ks = jax.random.split(key, 6)
    input_features = jax.random.normal(ks[0], (B, S, D), dtype=jnp.float32)
    expert_centroids = jax.random.normal(ks[1], (E, D), dtype=jnp.float32) * 0.1
    ln_scale = jnp.ones((E, D), dtype=jnp.float32)
    ln_bias = jnp.zeros((E, D), dtype=jnp.float32)
    W1 = jax.random.normal(ks[2], (E, DFF, D), dtype=jnp.float32) * 0.02
    b1 = jnp.zeros((E, DFF), dtype=jnp.float32)
    W2 = jax.random.normal(ks[3], (E, D, DFF), dtype=jnp.float32) * 0.02
    b2 = jnp.zeros((E, D), dtype=jnp.float32)
    return {"input_features": input_features, "expert_centroids": expert_centroids,
            "ln_scale": ln_scale, "ln_bias": ln_bias,
            "W1": W1, "b1": b1, "W2": W2, "b2": b2}


def reference(input_features, expert_centroids, ln_scale, ln_bias, W1, b1, W2, b2):
    shape = input_features.shape
    features = input_features.reshape(-1, shape[-1])
    T = features.shape[0]
    # routing (torch does this under no_grad)
    scores = features @ expert_centroids.T
    token_to_workers = jnp.argmax(scores, axis=1)
    sort_ordering = jnp.argsort(token_to_workers)
    # all2all is identity in single-process simulation
    routed = features[sort_ordering]
    sorted_experts = token_to_workers[sort_ordering]

    def expert_body(e, acc):
        alpha = jax.nn.sigmoid(routed @ expert_centroids[e])[:, None]
        h = layer_norm(routed, ln_scale[e], ln_bias[e])
        h = jax.nn.relu(h @ W1[e].T + b1[e])
        h = h @ W2[e].T + b2[e]
        sub_out = routed + h
        y = alpha * sub_out + (1.0 - alpha) * routed
        mask = (sorted_experts == e)[:, None]
        return jnp.where(mask, y, acc)

    routed = jax.lax.fori_loop(0, E, expert_body, routed)
    inv = jnp.zeros((T,), dtype=jnp.int32).at[sort_ordering].set(jnp.arange(T, dtype=jnp.int32))
    result = routed[inv]
    return result.reshape(shape)

if __name__ == "__main__":
    import jax
    _d = setup_inputs()
    print(jax.jit(kernel)(*tuple(_d.values())))

</pallas_src>

<mosaic_0001>
module attributes {stable_mosaic.version = 14 : i64} {
  func.func @_ffn_seg_kernel(%arg0: i32, %arg1: memref<158xi32, #tpu.memory_space<smem>>, %arg2: memref<158xi32, #tpu.memory_space<smem>>, %arg3: memref<158xi32, #tpu.memory_space<smem>>, %arg4: memref<158xi32, #tpu.memory_space<smem>>, %arg5: memref<158xi32, #tpu.memory_space<smem>>, %arg6: memref<128x1024xf32, #tpu.memory_space<vmem>>, %arg7: memref<1x1x1024xf32, #tpu.memory_space<vmem>>, %arg8: memref<1x1x1024xf32, #tpu.memory_space<vmem>>, %arg9: memref<1x1x1024xf32, #tpu.memory_space<vmem>>, %arg10: memref<1x2048x1024xf32, #tpu.memory_space<vmem>>, %arg11: memref<1x1x2048xf32, #tpu.memory_space<vmem>>, %arg12: memref<1x1x512x2048xf32, #tpu.memory_space<vmem>>, %arg13: memref<1x1x512x2048xf32, #tpu.memory_space<vmem>>, %arg14: memref<1x1x1024xf32, #tpu.memory_space<vmem>>, %arg15: memref<2048x1024xf32, #tpu.memory_space<vmem>>, %arg16: memref<2048x1024xf32, #tpu.memory_space<vmem>>) attributes {dimension_semantics = [#tpu.dimension_semantics<arbitrary>], iteration_bounds = array<i64: 158>, scalar_prefetch = 5 : i64, scratch_operands = 1 : i64, tpu.core_type = #tpu.core_type<tc>, window_params = [{transform_indices = @transform_0, window_bounds = array<i64: 128, 1024>}, {transform_indices = @transform_1, window_bounds = array<i64: 1, 1, 1024>}, {transform_indices = @transform_2, window_bounds = array<i64: 1, 1, 1024>}, {transform_indices = @transform_3, window_bounds = array<i64: 1, 1, 1024>}, {transform_indices = @transform_4, window_bounds = array<i64: 1, 2048, 1024>}, {transform_indices = @transform_5, window_bounds = array<i64: 1, 1, 2048>}, {transform_indices = @transform_6, window_bounds = array<i64: 1, 1, 512, 2048>}, {transform_indices = @transform_7, window_bounds = array<i64: 1, 1, 512, 2048>}, {transform_indices = @transform_8, window_bounds = array<i64: 1, 1, 1024>}, {pipeline_mode = #tpu.pipeline_mode<synchronous>, transform_indices = @transform_9, window_bounds = array<i64: 2048, 1024>}]} {
    %get3A = arith.index_cast %arg0 : i32 to index
    %get3A_0 = memref.load %arg2[%get3A] : memref<158xi32, #tpu.memory_space<smem>>
    %get3A_1 = arith.index_cast %arg0 : i32 to index
    %get3A_2 = memref.load %arg3[%get3A_1] : memref<158xi32, #tpu.memory_space<smem>>
    %mul3A = arith.constant 128 : i32
    %mul3A_3 = arith.muli %get3A_2, %mul3A : i32
    %get3A_4 = arith.constant 0 : index
    %get3A_5 = arith.constant 0 : index
    %get3A_6 = vector.load %arg6[%get3A_4, %get3A_5] : memref<128x1024xf32, #tpu.memory_space<vmem>>, vector<128x1024xf32>
    %reduce_sum3A = arith.constant dense<0.000000e+00> : vector<128xf32>
    %reduce_sum3A_7 = vector.multi_reduction <add>, %get3A_6, %reduce_sum3A [1] : vector<128x1024xf32> to vector<128xf32>
    %broadcast_in_dim3A = vector.shape_cast %reduce_sum3A_7 : vector<128xf32> to vector<128x1xf32>
    %div3A = arith.constant 1.024000e+03 : f32
    %div3A_8 = vector.broadcast %div3A : f32 to vector<128x1xf32>
    %div3A_9 = arith.divf %broadcast_in_dim3A, %div3A_8 : vector<128x1xf32>
    %sub3A = vector.broadcast %div3A_9 : vector<128x1xf32> to vector<128x1024xf32>
    %sub3A_10 = arith.subf %get3A_6, %sub3A : vector<128x1024xf32>
    %sub3A_11 = vector.broadcast %div3A_9 : vector<128x1xf32> to vector<128x1024xf32>
    %sub3A_12 = arith.subf %get3A_6, %sub3A_11 : vector<128x1024xf32>
    %mul3A_13 = arith.mulf %sub3A_10, %sub3A_12 : vector<128x1024xf32>
    %reduce_sum3A_14 = arith.constant dense<0.000000e+00> : vector<128xf32>
    %reduce_sum3A_15 = vector.multi_reduction <add>, %mul3A_13, %reduce_sum3A_14 [1] : vector<128x1024xf32> to vector<128xf32>
    %broadcast_in_dim3A_16 = vector.shape_cast %reduce_sum3A_15 : vector<128xf32> to vector<128x1xf32>
    %div3A_17 = arith.constant 1.024000e+03 : f32
    %div3A_18 = vector.broadcast %div3A_17 : f32 to vector<128x1xf32>
    %div3A_19 = arith.divf %broadcast_in_dim3A_16, %div3A_18 : vector<128x1xf32>
    %sub3A_20 = vector.broadcast %div3A_9 : vector<128x1xf32> to vector<128x1024xf32>
    %sub3A_21 = arith.subf %get3A_6, %sub3A_20 : vector<128x1024xf32>
    %add3A = arith.constant 9.99999974E-6 : f32
    %add3A_22 = vector.broadcast %add3A : f32 to vector<128x1xf32>
    %add3A_23 = arith.addf %div3A_19, %add3A_22 : vector<128x1xf32>
    %rsqrt3A = math.rsqrt %add3A_23 : vector<128x1xf32>
    %mul3A_24 = vector.broadcast %rsqrt3A : vector<128x1xf32> to vector<128x1024xf32>
    %mul3A_25 = arith.mulf %sub3A_21, %mul3A_24 : vector<128x1024xf32>
    %get3A_26 = arith.constant 0 : index
    %get3A_27 = arith.constant 0 : index
    %get3A_28 = arith.constant 0 : index
    %get3A_29 = vector.load %arg8[%get3A_26, %get3A_27, %get3A_28] : memref<1x1x1024xf32, #tpu.memory_space<vmem>>, vector<1x1x1024xf32>
    %get3A_30 = vector.shape_cast %get3A_29 : vector<1x1x1024xf32> to vector<1024xf32>
    %broadcast_in_dim3A_31 = vector.shape_cast %get3A_30 : vector<1024xf32> to vector<1x1024xf32>
    %mul3A_32 = vector.broadcast %broadcast_in_dim3A_31 : vector<1x1024xf32> to vector<128x1024xf32>
    %mul3A_33 = arith.mulf %mul3A_25, %mul3A_32 : vector<128x1024xf32>
    %get3A_34 = arith.constant 0 : index
    %get3A_35 = arith.constant 0 : index
    %get3A_36 = arith.constant 0 : index
    %get3A_37 = vector.load %arg9[%get3A_34, %get3A_35, %get3A_36] : memref<1x1x1024xf32, #tpu.memory_space<vmem>>, vector<1x1x1024xf32>
    %get3A_38 = vector.shape_cast %get3A_37 : vector<1x1x1024xf32> to vector<1024xf32>
    %broadcast_in_dim3A_39 = vector.shape_cast %get3A_38 : vector<1024xf32> to vector<1x1024xf32>
    %add3A_40 = vector.broadcast %broadcast_in_dim3A_39 : vector<1x1024xf32> to vector<128x1024xf32>
    %add3A_41 = arith.addf %mul3A_33, %add3A_40 : vector<128x1024xf32>
    %convert_element_type3A = arith.truncf %add3A_41 : vector<128x1024xf32> to vector<128x1024xbf16>
    %get3A_42 = arith.constant 0 : index
    %get3A_43 = arith.constant 0 : index
    %get3A_44 = arith.constant 0 : index
    %get3A_45 = vector.load %arg10[%get3A_42, %get3A_43, %get3A_44] : memref<1x2048x1024xf32, #tpu.memory_space<vmem>>, vector<1x2048x1024xf32>
    %get3A_46 = vector.shape_cast %get3A_45 : vector<1x2048x1024xf32> to vector<2048x1024xf32>
    %convert_element_type3A_47 = arith.truncf %get3A_46 : vector<2048x1024xf32> to vector<2048x1024xbf16>
    %get3A_48 = arith.constant 0 : index
    %get3A_49 = arith.constant 0 : index
    %get3A_50 = arith.constant 0 : index
    %get3A_51 = vector.load %arg11[%get3A_48, %get3A_49, %get3A_50] : memref<1x1x2048xf32, #tpu.memory_space<vmem>>, vector<1x1x2048xf32>
    %get3A_52 = vector.shape_cast %get3A_51 : vector<1x1x2048xf32> to vector<2048xf32>
    %dot_general3A = arith.constant dense<0.000000e+00> : vector<128x2048xf32>
    %dot_general3A_53 = tpu.matmul %convert_element_type3A, %convert_element_type3A_47, %dot_general3A {dimension_numbers = #tpu.dot_dimension_numbers<[1], [1], [0], [0], [0, 0, 1, 0], [], []>, transpose_lhs_hint = false} : vector<128x1024xbf16>, vector<2048x1024xbf16>, vector<128x2048xf32> -> vector<128x2048xf32>
    %broadcast_in_dim3A_54 = vector.shape_cast %get3A_52 : vector<2048xf32> to vector<1x2048xf32>
    %add3A_55 = vector.broadcast %broadcast_in_dim3A_54 : vector<1x2048xf32> to vector<128x2048xf32>
    %add3A_56 = arith.addf %dot_general3A_53, %add3A_55 : vector<128x2048xf32>
    %max3A = arith.constant 0.000000e+00 : f32
    %max3A_57 = vector.broadcast %max3A : f32 to vector<128x2048xf32>
    %max3A_58 = arith.maximumf %add3A_56, %max3A_57 : vector<128x2048xf32>
    %convert_element_type3A_59 = arith.truncf %max3A_58 : vector<128x2048xf32> to vector<128x2048xbf16>
    %get3A_60 = arith.constant 0 : index
    %get3A_61 = arith.constant 0 : index
    %get3A_62 = arith.constant 0 : index
    %get3A_63 = arith.constant 0 : index
    %get3A_64 = vector.load %arg12[%get3A_60, %get3A_61, %get3A_62, %get3A_63] : memref<1x1x512x2048xf32, #tpu.memory_space<vmem>>, vector<1x1x512x2048xf32>
    %get3A_65 = vector.shape_cast %get3A_64 : vector<1x1x512x2048xf32> to vector<512x2048xf32>
    %convert_element_type3A_66 = arith.truncf %get3A_65 : vector<512x2048xf32> to vector<512x2048xbf16>
    %get3A_67 = arith.constant 0 : index
    %get3A_68 = arith.constant 0 : index
    %get3A_69 = arith.constant 0 : index
    %get3A_70 = arith.constant 0 : index
    %get3A_71 = vector.load %arg13[%get3A_67, %get3A_68, %get3A_69, %get3A_70] : memref<1x1x512x2048xf32, #tpu.memory_space<vmem>>, vector<1x1x512x2048xf32>
    %get3A_72 = vector.shape_cast %get3A_71 : vector<1x1x512x2048xf32> to vector<512x2048xf32>
    %convert_element_type3A_73 = arith.truncf %get3A_72 : vector<512x2048xf32> to vector<512x2048xbf16>
    %dot_general3A_74 = arith.constant dense<0.000000e+00> : vector<128x512xf32>
    %dot_general3A_75 = tpu.matmul %convert_element_type3A_59, %convert_element_type3A_66, %dot_general3A_74 {dimension_numbers = #tpu.dot_dimension_numbers<[1], [1], [0], [0], [0, 0, 1, 0], [], []>, transpose_lhs_hint = false} : vector<128x2048xbf16>, vector<512x2048xbf16>, vector<128x512xf32> -> vector<128x512xf32>
    %dot_general3A_76 = arith.constant dense<0.000000e+00> : vector<128x512xf32>
    %dot_general3A_77 = tpu.matmul %convert_element_type3A_59, %convert_element_type3A_73, %dot_general3A_76 {dimension_numbers = #tpu.dot_dimension_numbers<[1], [1], [0], [0], [0, 0, 1, 0], [], []>, transpose_lhs_hint = false} : vector<128x2048xbf16>, vector<512x2048xbf16>, vector<128x512xf32> -> vector<128x512xf32>
    %eq3A = arith.constant 0 : i32
    %eq3A_78 = arith.cmpi eq, %get3A_0, %eq3A : i32
    %convert_element_type3A_79 = arith.extui %eq3A_78 : i1 to i32
    %cond3A = arith.constant 0 : i32
    %cond3A_80 = arith.cmpi ne, %convert_element_type3A_79, %cond3A : i32
    scf.if %cond3A_80 {
      %swap3A = arith.index_cast %mul3A_3 : i32 to index
      %swap3A_90 = arith.constant 0 : index
      %swap3A_91 = vector.load %arg16[%swap3A, %swap3A_90] : memref<2048x1024xf32, #tpu.memory_space<vmem>>, vector<128x512xf32>
      tpu.vector_store %arg16[%swap3A, %swap3A_90], %dot_general3A_75 {strides = array<i32>} : memref<2048x1024xf32, #tpu.memory_space<vmem>>, vector<128x512xf32>,
      %swap3A_92 = arith.index_cast %mul3A_3 : i32 to index
      %swap3A_93 = arith.constant 512 : index
      %swap3A_94 = vector.load %arg16[%swap3A_92, %swap3A_93] : memref<2048x1024xf32, #tpu.memory_space<vmem>>, vector<128x512xf32>
      tpu.vector_store %arg16[%swap3A_92, %swap3A_93], %dot_general3A_77 {strides = array<i32>} : memref<2048x1024xf32, #tpu.memory_space<vmem>>, vector<128x512xf32>,
    } else {
    }
    %ne3A = arith.constant 0 : i32
    %ne3A_81 = arith.cmpi ne, %get3A_0, %ne3A : i32
    %convert_element_type3A_82 = arith.extui %ne3A_81 : i1 to i32
    %cond3A_83 = arith.constant 0 : i32
    %cond3A_84 = arith.cmpi ne, %convert_element_type3A_82, %cond3A_83 : i32
    scf.if %cond3A_84 {
      %get3A_90 = arith.index_cast %mul3A_3 : i32 to index
      %get3A_91 = arith.constant 0 : index
      %get3A_92 = vector.load %arg16[%get3A_90, %get3A_91] : memref<2048x1024xf32, #tpu.memory_space<vmem>>, vector<128x512xf32>
      %add3A_93 = arith.addf %get3A_92, %dot_general3A_75 : vector<128x512xf32>
      %swap3A = arith.index_cast %mul3A_3 : i32 to index
      %swap3A_94 = arith.constant 0 : index
      %swap3A_95 = vector.load %arg16[%swap3A, %swap3A_94] : memref<2048x1024xf32, #tpu.memory_space<vmem>>, vector<128x512xf32>
      tpu.vector_store %arg16[%swap3A, %swap3A_94], %add3A_93 {strides = array<i32>} : memref<2048x1024xf32, #tpu.memory_space<vmem>>, vector<128x512xf32>,
      %get3A_96 = arith.index_cast %mul3A_3 : i32 to index
      %get3A_97 = arith.constant 512 : index
      %get3A_98 = vector.load %arg16[%get3A_96, %get3A_97] : memref<2048x1024xf32, #tpu.memory_space<vmem>>, vector<128x512xf32>
      %add3A_99 = arith.addf %get3A_98, %dot_general3A_77 : vector<128x512xf32>
      %swap3A_100 = arith.index_cast %mul3A_3 : i32 to index
      %swap3A_101 = arith.constant 512 : index
      %swap3A_102 = vector.load %arg16[%swap3A_100, %swap3A_101] : memref<2048x1024xf32, #tpu.memory_space<vmem>>, vector<128x512xf32>
      tpu.vector_store %arg16[%swap3A_100, %swap3A_101], %add3A_99 {strides = array<i32>} : memref<2048x1024xf32, #tpu.memory_space<vmem>>, vector<128x512xf32>,
    } else {
    }
    %eq3A_85 = arith.constant 1 : i32
    %eq3A_86 = arith.cmpi eq, %get3A_0, %eq3A_85 : i32
    %convert_element_type3A_87 = arith.extui %eq3A_86 : i1 to i32
    %cond3A_88 = arith.constant 0 : i32
    %cond3A_89 = arith.cmpi ne, %convert_element_type3A_87, %cond3A_88 : i32
    scf.if %cond3A_89 {
      %get3A_90 = arith.constant 0 : index
      %get3A_91 = arith.constant 0 : index
      %get3A_92 = arith.constant 0 : index
      %get3A_93 = vector.load %arg7[%get3A_90, %get3A_91, %get3A_92] : memref<1x1x1024xf32, #tpu.memory_space<vmem>>, vector<1x1x1024xf32>
      %get3A_94 = vector.shape_cast %get3A_93 : vector<1x1x1024xf32> to vector<1024xf32>
      %broadcast_in_dim3A_95 = vector.shape_cast %get3A_94 : vector<1024xf32> to vector<1x1024xf32>
      %mul3A_96 = vector.broadcast %broadcast_in_dim3A_95 : vector<1x1024xf32> to vector<128x1024xf32>
      %mul3A_97 = arith.mulf %get3A_6, %mul3A_96 : vector<128x1024xf32>
      %reduce_sum3A_98 = arith.constant dense<0.000000e+00> : vector<128xf32>
      %reduce_sum3A_99 = vector.multi_reduction <add>, %mul3A_97, %reduce_sum3A_98 [1] : vector<128x1024xf32> to vector<128xf32>
      %broadcast_in_dim3A_100 = vector.shape_cast %reduce_sum3A_99 : vector<128xf32> to vector<128x1xf32>
      %logistic3A = arith.negf %broadcast_in_dim3A_100 : vector<128x1xf32>
      %logistic3A_101 = math.exp %logistic3A : vector<128x1xf32>
      %logistic3A_102 = arith.constant 1.000000e+00 : f32
      %logistic3A_103 = vector.broadcast %logistic3A_102 : f32 to vector<128x1xf32>
      %logistic3A_104 = arith.addf %logistic3A_103, %logistic3A_101 : vector<128x1xf32>
      %logistic3A_105 = arith.divf %logistic3A_103, %logistic3A_104 : vector<128x1xf32>
      %get3A_106 = arith.index_cast %mul3A_3 : i32 to index
      %get3A_107 = arith.constant 0 : index
      %get3A_108 = vector.load %arg16[%get3A_106, %get3A_107] : memref<2048x1024xf32, #tpu.memory_space<vmem>>, vector<128x1024xf32>
      %get3A_109 = arith.constant 0 : index
      %get3A_110 = arith.constant 0 : index
      %get3A_111 = arith.constant 0 : index
      %get3A_112 = vector.load %arg14[%get3A_109, %get3A_110, %get3A_111] : memref<1x1x1024xf32, #tpu.memory_space<vmem>>, vector<1x1x1024xf32>
      %get3A_113 = vector.shape_cast %get3A_112 : vector<1x1x1024xf32> to vector<1024xf32>
      %broadcast_in_dim3A_114 = vector.shape_cast %get3A_113 : vector<1024xf32> to vector<1x1024xf32>
      %add3A_115 = vector.broadcast %broadcast_in_dim3A_114 : vector<1x1024xf32> to vector<128x1024xf32>
      %add3A_116 = arith.addf %get3A_108, %add3A_115 : vector<128x1024xf32>
      %mul3A_117 = vector.broadcast %logistic3A_105 : vector<128x1xf32> to vector<128x1024xf32>
      %mul3A_118 = arith.mulf %mul3A_117, %add3A_116 : vector<128x1024xf32>
      %add3A_119 = arith.addf %get3A_6, %mul3A_118 : vector<128x1024xf32>
      %iota3A = tpu.iota {dimensions = array<i32: 0>} : vector<128x1xi32>
      %get3A_120 = arith.index_cast %arg0 : i32 to index
      %get3A_121 = memref.load %arg4[%get3A_120] : memref<158xi32, #tpu.memory_space<smem>>
      %ge3A = vector.broadcast %get3A_121 : i32 to vector<128x1xi32>
      %ge3A_122 = arith.cmpi sge, %iota3A, %ge3A : vector<128x1xi32>
      %get3A_123 = arith.index_cast %arg0 : i32 to index
      %get3A_124 = memref.load %arg5[%get3A_123] : memref<158xi32, #tpu.memory_space<smem>>
      %lt3A = vector.broadcast %get3A_124 : i32 to vector<128x1xi32>
      %lt3A_125 = arith.cmpi slt, %iota3A, %lt3A : vector<128x1xi32>
      %and3A = arith.andi %ge3A_122, %lt3A_125 : vector<128x1xi1>
      %get3A_126 = arith.index_cast %mul3A_3 : i32 to index
      %get3A_127 = arith.constant 0 : index
      %get3A_128 = vector.load %arg15[%get3A_126, %get3A_127] : memref<2048x1024xf32, #tpu.memory_space<vmem>>, vector<128x1024xf32>
      %broadcast_in_dim3A_129 = vector.shape_cast %and3A : vector<128x1xi1> to vector<128x1xi1>
      %broadcast_in_dim3A_130 = vector.broadcast %broadcast_in_dim3A_129 : vector<128x1xi1> to vector<128x1024xi1>
      %select_n3A = arith.select %broadcast_in_dim3A_130, %add3A_119, %get3A_128 : vector<128x1024xi1>, vector<128x1024xf32>
      %swap3A = arith.index_cast %mul3A_3 : i32 to index
      %swap3A_131 = arith.constant 0 : index
      %swap3A_132 = vector.load %arg15[%swap3A, %swap3A_131] : memref<2048x1024xf32, #tpu.memory_space<vmem>>, vector<128x1024xf32>
      tpu.vector_store %arg15[%swap3A, %swap3A_131], %select_n3A {strides = array<i32>} : memref<2048x1024xf32, #tpu.memory_space<vmem>>, vector<128x1024xf32>,
    } else {
    }
    return
  }
  func.func @transform_0(%arg0: i32, %arg1: memref<158xi32, #tpu.memory_space<smem>>, %arg2: memref<158xi32, #tpu.memory_space<smem>>, %arg3: memref<158xi32, #tpu.memory_space<smem>>, %arg4: memref<158xi32, #tpu.memory_space<smem>>, %arg5: memref<158xi32, #tpu.memory_space<smem>>) -> (i32, i32) {
    %get3A = arith.index_cast %arg0 : i32 to index
    %get3A_0 = memref.load %arg3[%get3A] : memref<158xi32, #tpu.memory_space<smem>>
    %c0_i32 = arith.constant 0 : i32
    %c0_i32_1 = arith.constant 0 : i32
    return %get3A_0, %c0_i32 : i32, i32
  }
  func.func @transform_1(%arg0: i32, %arg1: memref<158xi32, #tpu.memory_space<smem>>, %arg2: memref<158xi32, #tpu.memory_space<smem>>, %arg3: memref<158xi32, #tpu.memory_space<smem>>, %arg4: memref<158xi32, #tpu.memory_space<smem>>, %arg5: memref<158xi32, #tpu.memory_space<smem>>) -> (i32, i32, i32) {
    %get3A = arith.index_cast %arg0 : i32 to index
    %get3A_0 = memref.load %arg1[%get3A] : memref<158xi32, #tpu.memory_space<smem>>
    %c0_i32 = arith.constant 0 : i32
    %c0_i32_1 = arith.constant 0 : i32
    %c0_i32_2 = arith.constant 0 : i32
    return %get3A_0, %c0_i32, %c0_i32_1 : i32, i32, i32
  }
  func.func @transform_2(%arg0: i32, %arg1: memref<158xi32, #tpu.memory_space<smem>>, %arg2: memref<158xi32, #tpu.memory_space<smem>>, %arg3: memref<158xi32, #tpu.memory_space<smem>>, %arg4: memref<158xi32, #tpu.memory_space<smem>>, %arg5: memref<158xi32, #tpu.memory_space<smem>>) -> (i32, i32, i32) {
    %get3A = arith.index_cast %arg0 : i32 to index
    %get3A_0 = memref.load %arg1[%get3A] : memref<158xi32, #tpu.memory_space<smem>>
    %c0_i32 = arith.constant 0 : i32
    %c0_i32_1 = arith.constant 0 : i32
    %c0_i32_2 = arith.constant 0 : i32
    return %get3A_0, %c0_i32, %c0_i32_1 : i32, i32, i32
  }
  func.func @transform_3(%arg0: i32, %arg1: memref<158xi32, #tpu.memory_space<smem>>, %arg2: memref<158xi32, #tpu.memory_space<smem>>, %arg3: memref<158xi32, #tpu.memory_space<smem>>, %arg4: memref<158xi32, #tpu.memory_space<smem>>, %arg5: memref<158xi32, #tpu.memory_space<smem>>) -> (i32, i32, i32) {
    %get3A = arith.index_cast %arg0 : i32 to index
    %get3A_0 = memref.load %arg1[%get3A] : memref<158xi32, #tpu.memory_space<smem>>
    %c0_i32 = arith.constant 0 : i32
    %c0_i32_1 = arith.constant 0 : i32
    %c0_i32_2 = arith.constant 0 : i32
    return %get3A_0, %c0_i32, %c0_i32_1 : i32, i32, i32
  }
  func.func @transform_4(%arg0: i32, %arg1: memref<158xi32, #tpu.memory_space<smem>>, %arg2: memref<158xi32, #tpu.memory_space<smem>>, %arg3: memref<158xi32, #tpu.memory_space<smem>>, %arg4: memref<158xi32, #tpu.memory_space<smem>>, %arg5: memref<158xi32, #tpu.memory_space<smem>>) -> (i32, i32, i32) {
    %get3A = arith.index_cast %arg0 : i32 to index
    %get3A_0 = memref.load %arg1[%get3A] : memref<158xi32, #tpu.memory_space<smem>>
    %get3A_1 = arith.index_cast %arg0 : i32 to index
    %get3A_2 = memref.load %arg2[%get3A_1] : memref<158xi32, #tpu.memory_space<smem>>
    %c0_i32 = arith.constant 0 : i32
    %c0_i32_3 = arith.constant 0 : i32
    return %get3A_0, %get3A_2, %c0_i32 : i32, i32, i32
  }
  func.func @transform_5(%arg0: i32, %arg1: memref<158xi32, #tpu.memory_space<smem>>, %arg2: memref<158xi32, #tpu.memory_space<smem>>, %arg3: memref<158xi32, #tpu.memory_space<smem>>, %arg4: memref<158xi32, #tpu.memory_space<smem>>, %arg5: memref<158xi32, #tpu.memory_space<smem>>) -> (i32, i32, i32) {
    %get3A = arith.index_cast %arg0 : i32 to index
    %get3A_0 = memref.load %arg1[%get3A] : memref<158xi32, #tpu.memory_space<smem>>
    %get3A_1 = arith.index_cast %arg0 : i32 to index
    %get3A_2 = memref.load %arg2[%get3A_1] : memref<158xi32, #tpu.memory_space<smem>>
    %c0_i32 = arith.constant 0 : i32
    %c0_i32_3 = arith.constant 0 : i32
    return %get3A_0, %c0_i32, %get3A_2 : i32, i32, i32
  }
  func.func @transform_6(%arg0: i32, %arg1: memref<158xi32, #tpu.memory_space<smem>>, %arg2: memref<158xi32, #tpu.memory_space<smem>>, %arg3: memref<158xi32, #tpu.memory_space<smem>>, %arg4: memref<158xi32, #tpu.memory_space<smem>>, %arg5: memref<158xi32, #tpu.memory_space<smem>>) -> (i32, i32, i32, i32) {
    %get3A = arith.index_cast %arg0 : i32 to index
    %get3A_0 = memref.load %arg1[%get3A] : memref<158xi32, #tpu.memory_space<smem>>
    %get3A_1 = arith.index_cast %arg0 : i32 to index
    %get3A_2 = memref.load %arg2[%get3A_1] : memref<158xi32, #tpu.memory_space<smem>>
    %c0_i32 = arith.constant 0 : i32
    %c0_i32_3 = arith.constant 0 : i32
    %c0_i32_4 = arith.constant 0 : i32
    return %get3A_0, %c0_i32, %c0_i32_3, %get3A_2 : i32, i32, i32, i32
  }
  func.func @transform_7(%arg0: i32, %arg1: memref<158xi32, #tpu.memory_space<smem>>, %arg2: memref<158xi32, #tpu.memory_space<smem>>, %arg3: memref<158xi32, #tpu.memory_space<smem>>, %arg4: memref<158xi32, #tpu.memory_space<smem>>, %arg5: memref<158xi32, #tpu.memory_space<smem>>) -> (i32, i32, i32, i32) {
    %get3A = arith.index_cast %arg0 : i32 to index
    %get3A_0 = memref.load %arg1[%get3A] : memref<158xi32, #tpu.memory_space<smem>>
    %get3A_1 = arith.index_cast %arg0 : i32 to index
    %get3A_2 = memref.load %arg2[%get3A_1] : memref<158xi32, #tpu.memory_space<smem>>
    %c1_i32 = arith.constant 1 : i32
    %c0_i32 = arith.constant 0 : i32
    %c0_i32_3 = arith.constant 0 : i32
    return %get3A_0, %c1_i32, %c0_i32, %get3A_2 : i32, i32, i32, i32
  }
  func.func @transform_8(%arg0: i32, %arg1: memref<158xi32, #tpu.memory_space<smem>>, %arg2: memref<158xi32, #tpu.memory_space<smem>>, %arg3: memref<158xi32, #tpu.memory_space<smem>>, %arg4: memref<158xi32, #tpu.memory_space<smem>>, %arg5: memref<158xi32, #tpu.memory_space<smem>>) -> (i32, i32, i32) {
    %get3A = arith.index_cast %arg0 : i32 to index
    %get3A_0 = memref.load %arg1[%get3A] : memref<158xi32, #tpu.memory_space<smem>>
    %c0_i32 = arith.constant 0 : i32
    %c0_i32_1 = arith.constant 0 : i32
    %c0_i32_2 = arith.constant 0 : i32
    return %get3A_0, %c0_i32, %c0_i32_1 : i32, i32, i32
  }
  func.func @transform_9(%arg0: i32, %arg1: memref<158xi32, #tpu.memory_space<smem>>, %arg2: memref<158xi32, #tpu.memory_space<smem>>, %arg3: memref<158xi32, #tpu.memory_space<smem>>, %arg4: memref<158xi32, #tpu.memory_space<smem>>, %arg5: memref<158xi32, #tpu.memory_space<smem>>) -> (i32, i32) {
    %c0_i32 = arith.constant 0 : i32
    %c0_i32_0 = arith.constant 0 : i32
    %c0_i32_1 = arith.constant 0 : i32
    return %c0_i32, %c0_i32_0 : i32, i32
  }
}

</mosaic_0001>

<sc_bundles>
// kernel: gather_offload_async_start.1
scs
__scs_entry_jumppad:
0x0: {  	(pc) =	sbr.rel $0x88, $3  }
0x1: {  	(tag) =	ssettag $0x0;
	lr =	simm.s32 $0x1  }
0x2: {  	[smem:$0x3F99] =	sst lr;
	_ =	strace $0xD0000000  }
0x3: {  	_ = 	snop  }
0x4: {  	_ = 	snop  }
0x5: {  	_ = 	snop  }
0x6: {  	_ = 	snop  }
0x7: {  	_ = 	snop  }
__scs_overlays_trampoline_lowered:
0x8: {  	[smem:$0x3FA8] =	sst s0  }
0x9: {  	[smem:$0x3FA9] =	sst s1  }
0xa: {  	[smem:$0x3FAA] =	sst s2  }
0xb: {  	[smem:$0x3FAB] =	sst s3  }
0xc: {  	[smem:$0x3FAC] =	sst s4  }
0xd: {  	[smem:$0x3FAD] =	sst s5  }
0xe: {  	[smem:$0x3FAE] =	sst s6  }
0xf: {  	[smem:$0x3FAF] =	sst s7  }
0x10: {  	[smem:$0x3FB0] =	sst s8  }
0x11: {  	[smem:$0x3FB1] =	sst s9;
	s0 =	simm.s32 @!p0 $0x0  }
0x12: {  	s1 =	sld [smem:$0x3F97];
	s0 =	simm.s32 @p0 $0x1  }
0x13: {  	[smem:$0x3FB2] =	sst s0;
	s0 =	simm.s32 @!p1 $0x0  }
0x14: {  	s2 =	sld [smem:$0x3F96];
	s0 =	simm.s32 @p1 $0x1  }
0x15: {  	[smem:$0x3FB3] =	sst s0;
	s0 =	simm.s32 @!p2 $0x0  }
0x16: {  	s3 =	sld [smem:$0x3FDB];
	s0 =	simm.s32 @p2 $0x1  }
0x17: {  	s4 =	simm.s32 $0x1BF5;
	[smem:$0x3FB5] =	sst s0  }
0x18: {  	s0 =	sld [smem:$0x3F98];
	_ =	swait.ge [sflag:s4], $0x0  }
0x19: {  	s7 =	sld [smem:$0x3F99]  }
0x1a: {  	s8 =	sadd.s32 $0xFFFFE003, lr  }
0x1b: {  	s9 =	sadd.s32 $0xFFFFFEF7, lr;
	s5 =	simm.s32 $0xFFFFFFFF;
	p2 =	slt.u32 s8, $0xFFFFF086  }
0x1c: {  	p1 =	slt.u32 s9, $0xF7A;
	s5 =	simm.s32 @!p2 $0x0  }
0x1d: {  	s5 =	simm.s32 @p1 $0x1;
	p0 =	seq.s32 s7, s2  }
0x1e: {  	s7 =	smul.u32 @!p0 $0xF7A, s2;
	p2 =	seq.s32 @!p0 s5, $0x0  }
0x1f: {  	s9 =	smul.u32 $0xF7A, s1;
	s8 =	simm.s32 @!p0 $0x1BF5;
	p2 =	por !p2, p0  }
0x20: {  	[sflag:s8] =	ssyncset.s32 @!p0 $0xFFFFF086;
	s6 =	sadd.s32 @!p0 s3, s7;
	s7 =	simm.s32 @!p0 $0x108  }
0x21: {  	s3 =	sadd.s32 s3, s9;
	s6 =	sadd.s32 @!p0 $0x88, s6;
	s7 =	simm.s32 @p2 $0x1082  }
0x22: {  	[simem:s7], [sflag:s8] =	dma.local @!p0 [hbm:s6], $0xF7A  }
0x23: {  	s9 =	sor.u32 $0xD0000000, s2;
	s6 =	simm.s32 $0x108;
	_ =	swait.ge @!p0 [sflag:s8], $0x0  }
0x24: {  	s3 =	sadd.s32 $0x88, s3;
	s6 =	simm.s32 @!p1 $0x1082;
	[sflag:s4] =	ssyncset.s32 $0xFFFFF086  }
0x25: {  	[simem:s6], [sflag:s4] =	dma.local [hbm:s3], $0xF7A  }
0x26: {  	[smem:$0x3F99] =	sst s1;
	(tag) =	ssettag s2;
	_ =	strace s9  }
0x27: {  	s1 =	sld [smem:$0x3FA9]  }
0x28: {  	s2 =	sld [smem:$0x3FAA]  }
0x29: {  	s4 =	sld [smem:$0x3FAC]  }
0x2a: {  	p0 =	seq.s32 s5, $0x0;
	s5 =	sld [smem:$0x3FAD]  }
0x2b: {  	s6 =	sld [smem:$0x3FAE]  }
0x2c: {  	s7 =	sld [smem:$0x3FAF]  }
0x2d: {  	s3 =	simm.s32 $0x108;
	s8 =	sld [smem:$0x3FB0]  }
0x2e: {  	s3 =	simm.s32 @!p0 $0x1082;
	s9 =	sld [smem:$0x3FB1]  }
0x2f: {  	lr =	sadd.s32 s0, s3;
	s0 =	sld [smem:$0x3FA8]  }
0x30: {  	s3 =	sld [smem:$0x3FAB]  }
0x31: {  	[smem:$0x3FB4] =	sst s10  }
0x32: {  	s10 =	sld [smem:$0x3FB2];
	_ =	sdelay $0x3  }
0x33: {  	p0 =	seq.s32 s10, $0x1;
	s10 =	sld [smem:$0x3FB4];
	_ =	sdelay $0x3  }
0x34: {  	[smem:$0x3FB4] =	sst s10  }
0x35: {  	s10 =	sld [smem:$0x3FB3];
	_ =	sdelay $0x3  }
0x36: {  	p1 =	seq.s32 s10, $0x1;
	s10 =	sld [smem:$0x3FB4];
	_ =	sdelay $0x3  }
0x37: {  	[smem:$0x3FB4] =	sst s10  }
0x38: {  	s10 =	sld [smem:$0x3FB5]  }
0x39: {  	_ = 	snop;
	(pc) =	sbr.ind lr, $3  }
0x3a: {  	_ = 	snop  }
0x3b: {  	_ = 	snop  }
0x3c: {  	p2 =	seq.s32 s10, $0x1;
	s10 =	sld [smem:$0x3FB4]  }
0x3d: {  	_ =	shalt  }
0x3e: {  	_ =	shalt  }
0x3f: {  	_ =	shalt  }
0x40: {  	_ =	shalt  }
0x41: {  	_ =	shalt  }
0x42: {  	_ =	shalt  }
0x43: {  	_ =	shalt  }
0x44: {  	_ =	shalt  }
0x45: {  	_ =	shalt  }
0x46: {  	_ =	shalt  }
0x47: {  	_ =	shalt  }
0x48: {  	_ =	shalt  }
0x49: {  	_ =	shalt  }
0x4a: {  	_ =	shalt  }
0x4b: {  	_ =	shalt  }
0x4c: {  	_ =	shalt  }
0x4d: {  	_ =	shalt  }
0x4e: {  	_ =	shalt  }
0x4f: {  	_ =	shalt  }
0x50: {  	_ =	shalt  }
0x51: {  	_ =	shalt  }
0x52: {  	_ =	shalt  }
0x53: {  	_ =	shalt  }
0x54: {  	_ =	shalt  }
0x55: {  	_ =	shalt  }
0x56: {  	_ =	shalt  }
0x57: {  	_ =	shalt  }
0x58: {  	_ =	shalt  }
0x59: {  	_ =	shalt  }
0x5a: {  	_ =	shalt  }
0x5b: {  	_ =	shalt  }
0x5c: {  	_ =	shalt  }
0x5d: {  	_ =	shalt  }
0x5e: {  	_ =	shalt  }
0x5f: {  	_ =	shalt  }
0x60: {  	_ =	shalt  }
0x61: {  	_ =	shalt  }
0x62: {  	_ =	shalt  }
0x63: {  	_ =	shalt  }
0x64: {  	_ =	shalt  }
0x65: {  	_ =	shalt  }
0x66: {  	_ =	shalt  }
0x67: {  	_ =	shalt  }
0x68: {  	_ =	shalt  }
0x69: {  	_ =	shalt  }
0x6a: {  	_ =	shalt  }
0x6b: {  	_ =	shalt  }
0x6c: {  	_ =	shalt  }
0x6d: {  	_ =	shalt  }
0x6e: {  	_ =	shalt  }
0x6f: {  	_ =	shalt  }
0x70: {  	_ =	shalt  }
0x71: {  	_ =	shalt  }
0x72: {  	_ =	shalt  }
0x73: {  	_ =	shalt  }
0x74: {  	_ =	shalt  }
0x75: {  	_ =	shalt  }
0x76: {  	_ =	shalt  }
0x77: {  	_ =	shalt  }
0x78: {  	_ =	shalt  }
0x79: {  	_ =	shalt  }
0x7a: {  	_ =	shalt  }
0x7b: {  	_ =	shalt  }
0x7c: {  	_ =	shalt  }
0x7d: {  	_ =	shalt  }
0x7e: {  	_ =	shalt  }
0x7f: {  	_ =	shalt  }
0x80: {  	_ =	shalt  }
0x81: {  	_ =	shalt  }
0x82: {  	_ =	shalt  }
0x83: {  	_ =	shalt  }
0x84: {  	_ =	shalt  }
0x85: {  	_ =	shalt  }
0x86: {  	_ =	shalt  }
0x87: {  	_ =	shalt  }
.Lfunc_end0:
.L_simem_size_0:
called_computation.2_lowered:
.L_overlay_start_0:
0x88: {  	s2 =	sld [smem:$0x3FD9]  }
0x89: {  	s3 =	sld [smem:$0x3FFE];
	_ =	sdelay $0x1  }
0x8a: {  	s1 =	srdreg.scid  }
0x8b: {  	s0 =	sand.u32 $0x1, s1  }
0x8c: {  	s17 =	sshll.u32 s0, $0xA;
	s2 =	sadd.s32 s3, s2  }
0x8d: {  	s2 =	sadd.s32 s2, s17  }
0x8e: {  	[smem:$0x3FC0] =	sst s2  }
0x8f: {  	_ = 	snop  }
0x90: {  	s2 =	sld [smem:$0x3FD0];
	(tm) =	ssettm $0x1  }
0x91: {  	s18 =	sld [smem:$0x3FFB];
	_ =	sdelay $0x3  }
0x92: {  	_ =	strace s18  }
0x93: {  	s3 =	sld [smem:$0x3FFC];
	_ =	sdelay $0x3  }
0x94: {  	_ =	strace s3  }
0x95: {  	s3 =	sld [smem:$0x3FFD];
	_ =	sdelay $0x3  }
0x96: {  	_ =	strace s3  }
0x97: {  	_ =	strace $0x8FFFFFFF  }
0x98: {  	s19 =	sld [smem:$0x3FDB];
	_ =	sdelay $0x1  }
0x99: {  	s4 =	simm.s32 $_scs_section_size  }
0x9a: {  	s5 =	simm.s32 $_size__tile_overlayer_lowered;
	s6 =	simm.s32 $_tile_overlayer_lowered  }
0x9b: {  	s22 =	simm.s32 $0x1BFF;
	s21 =	sshll.u32 s6, $0x1;
	s3 =	sadd.s32 s4, s19  }
0x9c: {  	s7 =	simm.s32 $0x0;
	s20 =	sshll.u32 s5, $0x1;
	s5 =	sadd.s32 s21, s3  }
0x9d: {  	[timem:s7], [sflag:s22] =	dma.local [hbm:s5], s20  }
0x9e: {  	_ =	swait.ge [sflag:s22], s20  }
0x9f: {  	s4 =	ssub.s32 $0x0, s20;
	[sflag:s22] =	ssyncset.done $0x0  }
0xa0: {  	[sflag:s22] =	ssyncadd.s32 s4;
	_ =	sdelay $0x1  }
0xa1: {  	s23 =	simm.s32 $0x1B8B  }
0xa2: {  	_ =	swait.ge [sflag:s23], $0x1  }
0xa3: {  	[sflag:s23] =	ssyncset.done $0x0  }
0xa4: {  	s25 =	simm.s32 $0x1B8E;
	s24 =	sld [smem:$0x3FFE];
	[sflag:s23] =	ssyncadd.s32 $0xFFFFFFFF  }
0xa5: {  	s26 =	simm.s32 $execute0_lowered;
	[smem:$0x3FD2] =	sst s25  }
0xa6: {  	s5 =	sshll.u32 s26, $0x1;
	_ =	strace $0x8000004C;
	[dreg:$0x1] =	wrdreg $0xFFFFFFFF  }
0xa7: {  	s28 =	simm.s32 $_size_execute0_lowered;
	s3 =	sadd.s32 s3, s5;
	[dreg:$0x0] =	wrdreg $0x0  }
0xa8: {  	s5 =	sshll.u32 s28, $0x1;
	[dreg:$0x2] =	wrdreg s3  }
0xa9: {  	[dreg:$0x3] =	wrdreg s5  }
0xaa: {  	[dreg:$0x4] =	wrdreg $0xC0  }
0xab: {  	_ =	task [dreg:s7], $0x5FFFF  }
0xac: {  	[dreg:$0x1] =	wrdreg $0xFFFFFFFF  }
0xad: {  	[dreg:$0x0] =	wrdreg $0x60  }
0xae: {  	[dreg:$0x2] =	wrdreg s24  }
0xaf: {  	[dreg:$0x3] =	wrdreg s2  }
0xb0: {  	[dreg:$0x4] =	wrdreg $0x9  }
0xb1: {  	_ =	task.clear_ibuf [dreg:s7], $0x5FFFF;
	_ =	strace $0x9000004C  }
0xb2: {  	s29 =	simm.s32 $0x9;
	_ =	strace $0x8000004E  }
0xb3: {  	_ =	swait.ge [sflag:s29], $0x1  }
0xb4: {  	[sflag:s29] =	ssyncadd.s32 $0xFFFFFFFF  }
0xb5: {  	_ =	strace $0x9000004E  }
0xb6: {  	_ =	sfence  }
0xb7: {  	s30 =	sld [smem:$0x0];
	_ =	sdelay $0x2  }
0xb8: {  	s31 =	sshll.u32 s1, $0xD;
	s1 =	sshrl.u32 s1, $0x2  }
0xb9: {  	s3 =	sand.u32 $0x4000, s31;
	s1 =	sadd.s32 s1, s30  }
0xba: {  	s0 =	sor.u32 s3, s0;
	s1 =	sshll.u32 s1, $0x11  }
0xbb: {  	s0 =	sor.u32 s1, s0  }
0xbc: {  	s0 =	sadd.s32 $0x8F2B, s0  }
0xbd: {  	[sflag:s0] =	ssyncadd.remote.s32 $0x1  }
0xbe: {  	_ =	sfence.sel $0xFFFF  }
0xbf: {  	[dreg:$0x0] =	wrdreg $0xFFFFFFFF;
	(pc) =	sbr.abs _section_cstart, $3  }
0xc0: {  	[dreg:$0x1] =	wrdreg $0xFFFFFFFF  }
0xc1: {  	_ =	task.clear_ibuf [dreg:s7], $0x2FFFF;
	_ =	strace $0x9FFFFFFF  }
0xc2: {  	(tm) =	ssettm $0x7FFFFFFF  }
0xc3: {  	_ =	shalt  }
tec
execute0_lowered:
.L_overlay_start_1:
0x0: {  	(tag) =	ssettag $0x1  }
0x1: {  	s7 =	rddreg [dreg:$0x0]  }
0x2: {  	s2 =	rddreg [dreg:$0x1]  }
0x3: {  	s0 =	rddreg [dreg:$0x2]  }
0x4: {  	s1 =	srdreg.scid;
	_ =	strace $0x8000004D;
	s4 =	simm.s32 $0x1  }
0x5: {  	s9 =	simm.s32 $0x3;
	s11 =	simm.s32 $0x0;
	s5 =	sshll.u32 s1, $0x4  }
.Ltmp0:
0x6: {  	s1 =	stileid.u32;
	s5 =	sand.u32 $0x10, s5;
	(pc) =	sbr.rel .LBB2_1-.Ltmp0, $4  }
0x7: {  	p0 =	por $0x0, $0x0;
	s3 =	sadd.s32 $0x11200, s7;
	s6 =	sor.u32 s1, s5  }
0x8: {  	[sflag:s4] =	ssyncpa.u1 $0x0;
	s5 =	simm.s32 $0x2;
	s6 =	sshll.u32 s6, $0x6  }
0x9: {  	s7 =	sadd.s32 $0x2400, s7;
	[sflag:s5] =	ssyncpa.u1 $0x0;
	s8 =	sadd.s32 $0x40, s6  }
0xa: {  	vm0 =	vmmov $0xff;
	vm1 =	vcmask $0x3F20;
	[sflag:s9] =	ssyncpa.u1 $0x0;
	s10 =	smov.u32 s6;
	s9 =	simm.s32 $0x0  }
.LBB2_9:
0xb: {  	p1 =	slt.u32 s9, $0x2;
	s11 =	sadd.s32 $0x20, s10  }
0xc: {  	s13 =	smov.u32 s6;
	s9 =	sadd.s32 $0x1, s9;
	p2 =	slt.s32 s11, s8  }
0xd: {  	s13 =	smov.u32 @p2 s11;
	p2 =	sne.s32 s9, $0x4  }
.Ltmp1:
0xe: {  	_ = 	snop;
	(pc) =	sbr.rel @!p2 .LBB2_10-.Ltmp1, $4  }
0xf: {  	s12 =	simm.s32 @!p1 $0x3  }
0x10: {  	_ =	swait.ge @!p1 [sflag:s12], $0x8000  }
0x11: {  	p0 =	por !p0, !p0;
	[sflag:s12] =	ssyncset.done @!p1 $0x0  }
0x12: {  	s11 =	smov.u32 s10;
	s10 =	smov.u32 s13;
	[sflag:s12] =	ssyncadd.s32 @!p1 $0xFFFF8000  }
.LBB2_1:
0x13: {  	p1 =	sgt.u32 s9, $0x1  }
0x14: {  	s12 =	sshll.u32 @!p1 s9, $0x5;
	s13 =	sshrl.u32 @!p1 s10, $0x3  }
0x15: {  	s14 =	sand.u32 @!p1 $0x7, s10;
	s12 =	sxor.u32 @!p1 $0x20, s12;
	s13 =	sadd.s32 @!p1 s7, s13  }
0x16: {  	[tilespmem:s12], [sflag:$0x2] =	stream.linear.gather @!p1 [hbm4b:s13+s14], $0x20, $0x38;
	[tilespmem:$0x10040] =	vst v63  }
0x17: {  	p1 =	seq.s32 s9, $0x0  }
0x18: {  	p2 =	seq.s32 @!p1 s9, $0x3  }
0x19: {  	p1 =	por p1, p2  }
.Ltmp2:
0x1a: {  	_ = 	snop;
	(pc) =	sbr.rel @p1 .LBB2_9-.Ltmp2, $1  }
0x1b: {  	_ =	sdelay $0x3  }
0x1c: {  	s12 =	simm.s32 $0x1  }
0x1d: {  	_ =	swait.ge [sflag:s5], $0x20;
	s13 =	sand.u32 $0x1, s9;
	s12 =	simm.s32 @!p0 $0x0  }
0x1e: {  	s15 =	simm.s32 $0x0;
	p2 =	por $0x1, $0x1;
	s12 =	sshll.u32 s12, $0x11  }
0x1f: {  	[sflag:s5] =	ssyncset.done $0x0;
	s13 =	sshll.u32 s13, $0x5;
	s14 =	sshrl.u32 s12, $0x2  }
0x20: {  	[sflag:s5] =	ssyncadd.s32 $0xFFFFFFE0;
	s12 =	sor.u32 $0x40, s14;
	s14 =	sadd.s32 $0x40, s14  }
.LBB2_3:
0x21: {  	s16 =	sshll.u32 s15, $0x4  }
0x22: {  	s16 =	sand.u32 $0x3FFFFFF0, s16  }
0x23: {  	s16 =	sadd.s32 s16, s13  }
0x24: {  	v0 =	vld.msk [tilespmem:s16+$0x0 ss:$0x1], $0xffff;
	_ =	sdelay $0x4  }
0x25: {  	vm2 =	vgt.s32 v0, $0x0  }
0x26: {  	v0 =	vnsel vm2, $0x0, v0  }
0x27: {  	v0 =	vmin.u32 v0, $0x7FF  }
0x28: {  	v1 =	vshll.u32 v0, $0x7;
	v0 =	vshll.u32 v0, $0x4  }
0x29: {  	v1 =	vand.u32 $0x3FC00, v1;
	v0 =	vand.u32 $0x70, v0  }
0x2a: {  	v0 =	vor.u32 v0, v1  }
0x2b: {  	s31 =	sshll.u32 s15, $0x10  }
0x2c: {  	s15 =	sshra.s32 s31, $0x2  }
0x2d: {  	s15 =	sadd.s32 s15, s14  }
0x2e: {  	s17 =	sadd.s32 $0x0, s15  }
0x2f: {  	[tilespmem:s17], [sflag:$0x1] =	stream.indirect_vreg.gather [hbm:s3], $0x80, v0, vm0, $0x38;
	[tilespmem:$0x10040] =	vst v63  }
0x30: {  	p1 =	por p2, p2;
	s16 =	simm.s32 $0x1000;
	v1 =	vadd.s32 $0x80, v0;
	s17 =	sadd.s32 $0x2000, s17  }
.LBB2_4:
0x31: {  	[tilespmem:s17], [sflag:$0x1] =	stream.indirect_vreg.gather [hbm:s3], $0x80, v0, vm1, $0x38;
	[tilespmem:$0x10040] =	vst v63  }
0x32: {  	v0 =	vmov v1;
	s17 =	smov.u32 s16;
	p2 =	sne.s32 s16, $0x7000  }
.Ltmp3:
0x33: {  	s16 =	sadd.s32 $0x1000, s16;
	(pc) =	sbr.rel @p2 .LBB2_4-.Ltmp3, $4  }
0x34: {  	s17 =	sshra.s32 s17, $0x2  }
0x35: {  	s17 =	sadd.s32 s17, s15  }
0x36: {  	[tilespmem:s17], [sflag:$0x1] =	stream.indirect_vreg.gather [hbm:s3], $0x80, v1, vm0, $0x38;
	[tilespmem:$0x10040] =	vst v63  }
0x37: {  	s17 =	sadd.s32 $0x2000, s17;
	v1 =	vadd.s32 $0x80, v1  }
0x38: {  	_ = 	snop  }
.Ltmp4:
0x39: {  	_ = 	snop;
	(pc) =	sbr.rel @p1 .LBB2_3-.Ltmp4, $3  }
0x3a: {  	_ =	sdelay $0x1  }
0x3b: {  	[tilespmem:s17], [sflag:$0x1] =	stream.indirect_vreg.gather [hbm:s3], $0x80, v0, vm1, $0x38;
	[tilespmem:$0x10040] =	vst v63  }
0x3c: {  	s15 =	simm.s32 $0x1;
	p2 =	por $0x0, $0x0  }
0x3d: {  	s13 =	sshll.u32 s11, $0x7  }
0x3e: {  	s31 =	sshll.u32 s11, $0x4;
	s13 =	sand.u32 $0xFFFFFC00, s13  }
0x3f: {  	_ =	swait.ge [sflag:s4], $0x8000;
	s11 =	sand.u32 $0x70, s31;
	s13 =	sadd.s32 s13, s2  }
0x40: {  	s14 =	sadd.s32 $0x2000, s12;
	[sflag:s4] =	ssyncset.done $0x0;
	s11 =	sadd.s32 s11, s13  }
0x41: {  	[sflag:s4] =	ssyncadd.s32 $0xFFFF8000;
	s13 =	simm.s32 $0x400;
	s15 =	sadd.s32 $0x0, s11  }
.LBB2_7:
0x42: {  	[hbm:s15] =	stream.linear.scatter [tilespmem:s12], [sflag:$0x3], $0x2000, $0x38;
	[tilespmem:$0x10040] =	vst v63  }
0x43: {  	s15 =	smov.u32 s13;
	s12 =	smov.u32 s14;
	p1 =	sne.s32 s13, $0xC00  }
.Ltmp5:
0x44: {  	s13 =	sadd.s32 $0x400, s13;
	(pc) =	sbr.rel @p1 .LBB2_7-.Ltmp5, $2  }
0x45: {  	_ =	sdelay $0x2  }
0x46: {  	s14 =	sadd.s32 $0x2000, s14;
	s15 =	sadd.s32 s15, s11  }
.Ltmp6:
0x47: {  	(pc) =	sbr.rel .LBB2_9-.Ltmp6, $2  }
0x48: {  	_ =	sdelay $0x2  }
0x49: {  	[hbm:s15] =	stream.linear.scatter [tilespmem:s12], [sflag:$0x3], $0x2000, $0x38;
	[tilespmem:$0x10040] =	vst v63  }
.LBB2_10:
0x4a: {  	_ =	sfence.sel $0x180000  }
0x4b: {  	s2 =	simm.s32 $0x2;
	[bflag:$0x0] =	sbarrier.arrive $0xFFFF  }
0x4c: {  	s30 =	simm.s32 $0x3;
	[sflag:s2] =	ssyncpa.u1 $0x1  }
0x4d: {  	s31 =	simm.s32 $0x1;
	[sflag:s30] =	ssyncpa.u1 $0x1  }
0x4e: {  	[sflag:s31] =	ssyncpa.u1 $0x1  }
0x4f: {  	p0 =	sne.s32 s1, $0x0;
	_ =	strace $0x9000004D  }
0x50: {  	s0 =	sadd.s32 @!p0 $0x100000, s0;
	[bflag:$0x2] =	sbarrier.arrive $0xFFFF  }
0x51: {  	[sflag:s0] =	ssyncadd.tile.s32 @!p0 $0x1;
	_ =	shalt  }
.Lfunc_end2:
_tile_overlayer_lowered:
.L_overlay_start_2:
0x52: {  	(tag) =	ssettag $0x2  }
0x53: {  	s0 =	rddreg [dreg:$0x0];
	s2 =	stileid.u32  }
0x54: {  	s1 =	rddreg [dreg:$0x1];
	p0 =	sne.s32 s2, $0x0  }
0x55: {  	s3 =	rddreg [dreg:$0x2];
	[bflag:$0x3] =	sbarrier.arrive $0xFFFF;
	s2 =	simm.s32 @!p0 $0x1C01  }
0x56: {  	[timem:s3], [sflag:s2] =	dma.local @!p0 [hbm:s0], s1  }
0x57: {  	s0 =	simm.s32 @!p0 $0x1  }
0x58: {  	_ =	swait.ge @!p0 [sflag:s0], s1  }
0x59: {  	s1 =	ssub.s32 @!p0 $0x0, s1;
	[sflag:s0] =	ssyncset.done @!p0 $0x0  }
0x5a: {  	[sflag:s0] =	ssyncadd.s32 @!p0 s1  }
0x5b: {  	[bflag:$0x3] =	sbarrier.arrive $0xFFFF  }
0x5c: {  	_ =	shalt  }

// kernel: gather_offload_async_start
scs
__scs_entry_jumppad:
0x0: {  	(pc) =	sbr.rel $0x88, $3  }
0x1: {  	(tag) =	ssettag $0x0;
	lr =	simm.s32 $0x1  }
0x2: {  	[smem:$0x3F99] =	sst lr;
	_ =	strace $0xD0000000  }
0x3: {  	_ = 	snop  }
0x4: {  	_ = 	snop  }
0x5: {  	_ = 	snop  }
0x6: {  	_ = 	snop  }
0x7: {  	_ = 	snop  }
__scs_overlays_trampoline_lowered:
0x8: {  	[smem:$0x3FA8] =	sst s0  }
0x9: {  	[smem:$0x3FA9] =	sst s1  }
0xa: {  	[smem:$0x3FAA] =	sst s2  }
0xb: {  	[smem:$0x3FAB] =	sst s3  }
0xc: {  	[smem:$0x3FAC] =	sst s4  }
0xd: {  	[smem:$0x3FAD] =	sst s5  }
0xe: {  	[smem:$0x3FAE] =	sst s6  }
0xf: {  	[smem:$0x3FAF] =	sst s7  }
0x10: {  	[smem:$0x3FB0] =	sst s8  }
0x11: {  	[smem:$0x3FB1] =	sst s9;
	s0 =	simm.s32 @!p0 $0x0  }
0x12: {  	s1 =	sld [smem:$0x3F97];
	s0 =	simm.s32 @p0 $0x1  }
0x13: {  	[smem:$0x3FB2] =	sst s0;
	s0 =	simm.s32 @!p1 $0x0  }
0x14: {  	s2 =	sld [smem:$0x3F96];
	s0 =	simm.s32 @p1 $0x1  }
0x15: {  	[smem:$0x3FB3] =	sst s0;
	s0 =	simm.s32 @!p2 $0x0  }
0x16: {  	s3 =	sld [smem:$0x3FDB];
	s0 =	simm.s32 @p2 $0x1  }
0x17: {  	s4 =	simm.s32 $0x1BF5;
	[smem:$0x3FB5] =	sst s0  }
0x18: {  	s0 =	sld [smem:$0x3F98];
	_ =	swait.ge [sflag:s4], $0x0  }
0x19: {  	s7 =	sld [smem:$0x3F99]  }
0x1a: {  	s8 =	sadd.s32 $0xFFFFE003, lr  }
0x1b: {  	s9 =	sadd.s32 $0xFFFFFEF7, lr;
	s5 =	simm.s32 $0xFFFFFFFF;
	p2 =	slt.u32 s8, $0xFFFFF086  }
0x1c: {  	p1 =	slt.u32 s9, $0xF7A;
	s5 =	simm.s32 @!p2 $0x0  }
0x1d: {  	s5 =	simm.s32 @p1 $0x1;
	p0 =	seq.s32 s7, s2  }
0x1e: {  	s7 =	smul.u32 @!p0 $0xF7A, s2;
	p2 =	seq.s32 @!p0 s5, $0x0  }
0x1f: {  	s9 =	smul.u32 $0xF7A, s1;
	s8 =	simm.s32 @!p0 $0x1BF5;
	p2 =	por !p2, p0  }
0x20: {  	[sflag:s8] =	ssyncset.s32 @!p0 $0xFFFFF086;
	s6 =	sadd.s32 @!p0 s3, s7;
	s7 =	simm.s32 @!p0 $0x108  }
0x21: {  	s3 =	sadd.s32 s3, s9;
	s6 =	sadd.s32 @!p0 $0x88, s6;
	s7 =	simm.s32 @p2 $0x1082  }
0x22: {  	[simem:s7], [sflag:s8] =	dma.local @!p0 [hbm:s6], $0xF7A  }
0x23: {  	s9 =	sor.u32 $0xD0000000, s2;
	s6 =	simm.s32 $0x108;
	_ =	swait.ge @!p0 [sflag:s8], $0x0  }
0x24: {  	s3 =	sadd.s32 $0x88, s3;
	s6 =	simm.s32 @!p1 $0x1082;
	[sflag:s4] =	ssyncset.s32 $0xFFFFF086  }
0x25: {  	[simem:s6], [sflag:s4] =	dma.local [hbm:s3], $0xF7A  }
0x26: {  	[smem:$0x3F99] =	sst s1;
	(tag) =	ssettag s2;
	_ =	strace s9  }
0x27: {  	s1 =	sld [smem:$0x3FA9]  }
0x28: {  	s2 =	sld [smem:$0x3FAA]  }
0x29: {  	s4 =	sld [smem:$0x3FAC]  }
0x2a: {  	p0 =	seq.s32 s5, $0x0;
	s5 =	sld [smem:$0x3FAD]  }
0x2b: {  	s6 =	sld [smem:$0x3FAE]  }
0x2c: {  	s7 =	sld [smem:$0x3FAF]  }
0x2d: {  	s3 =	simm.s32 $0x108;
	s8 =	sld [smem:$0x3FB0]  }
0x2e: {  	s3 =	simm.s32 @!p0 $0x1082;
	s9 =	sld [smem:$0x3FB1]  }
0x2f: {  	lr =	sadd.s32 s0, s3;
	s0 =	sld [smem:$0x3FA8]  }
0x30: {  	s3 =	sld [smem:$0x3FAB]  }
0x31: {  	[smem:$0x3FB4] =	sst s10  }
0x32: {  	s10 =	sld [smem:$0x3FB2];
	_ =	sdelay $0x3  }
0x33: {  	p0 =	seq.s32 s10, $0x1;
	s10 =	sld [smem:$0x3FB4];
	_ =	sdelay $0x3  }
0x34: {  	[smem:$0x3FB4] =	sst s10  }
0x35: {  	s10 =	sld [smem:$0x3FB3];
	_ =	sdelay $0x3  }
0x36: {  	p1 =	seq.s32 s10, $0x1;
	s10 =	sld [smem:$0x3FB4];
	_ =	sdelay $0x3  }
0x37: {  	[smem:$0x3FB4] =	sst s10  }
0x38: {  	s10 =	sld [smem:$0x3FB5]  }
0x39: {  	_ = 	snop;
	(pc) =	sbr.ind lr, $3  }
0x3a: {  	_ = 	snop  }
0x3b: {  	_ = 	snop  }
0x3c: {  	p2 =	seq.s32 s10, $0x1;
	s10 =	sld [smem:$0x3FB4]  }
0x3d: {  	_ =	shalt  }
0x3e: {  	_ =	shalt  }
0x3f: {  	_ =	shalt  }
0x40: {  	_ =	shalt  }
0x41: {  	_ =	shalt  }
0x42: {  	_ =	shalt  }
0x43: {  	_ =	shalt  }
0x44: {  	_ =	shalt  }
0x45: {  	_ =	shalt  }
0x46: {  	_ =	shalt  }
0x47: {  	_ =	shalt  }
0x48: {  	_ =	shalt  }
0x49: {  	_ =	shalt  }
0x4a: {  	_ =	shalt  }
0x4b: {  	_ =	shalt  }
0x4c: {  	_ =	shalt  }
0x4d: {  	_ =	shalt  }
0x4e: {  	_ =	shalt  }
0x4f: {  	_ =	shalt  }
0x50: {  	_ =	shalt  }
0x51: {  	_ =	shalt  }
0x52: {  	_ =	shalt  }
0x53: {  	_ =	shalt  }
0x54: {  	_ =	shalt  }
0x55: {  	_ =	shalt  }
0x56: {  	_ =	shalt  }
0x57: {  	_ =	shalt  }
0x58: {  	_ =	shalt  }
0x59: {  	_ =	shalt  }
0x5a: {  	_ =	shalt  }
0x5b: {  	_ =	shalt  }
0x5c: {  	_ =	shalt  }
0x5d: {  	_ =	shalt  }
0x5e: {  	_ =	shalt  }
0x5f: {  	_ =	shalt  }
0x60: {  	_ =	shalt  }
0x61: {  	_ =	shalt  }
0x62: {  	_ =	shalt  }
0x63: {  	_ =	shalt  }
0x64: {  	_ =	shalt  }
0x65: {  	_ =	shalt  }
0x66: {  	_ =	shalt  }
0x67: {  	_ =	shalt  }
0x68: {  	_ =	shalt  }
0x69: {  	_ =	shalt  }
0x6a: {  	_ =	shalt  }
0x6b: {  	_ =	shalt  }
0x6c: {  	_ =	shalt  }
0x6d: {  	_ =	shalt  }
0x6e: {  	_ =	shalt  }
0x6f: {  	_ =	shalt  }
0x70: {  	_ =	shalt  }
0x71: {  	_ =	shalt  }
0x72: {  	_ =	shalt  }
0x73: {  	_ =	shalt  }
0x74: {  	_ =	shalt  }
0x75: {  	_ =	shalt  }
0x76: {  	_ =	shalt  }
0x77: {  	_ =	shalt  }
0x78: {  	_ =	shalt  }
0x79: {  	_ =	shalt  }
0x7a: {  	_ =	shalt  }
0x7b: {  	_ =	shalt  }
0x7c: {  	_ =	shalt  }
0x7d: {  	_ =	shalt  }
0x7e: {  	_ =	shalt  }
0x7f: {  	_ =	shalt  }
0x80: {  	_ =	shalt  }
0x81: {  	_ =	shalt  }
0x82: {  	_ =	shalt  }
0x83: {  	_ =	shalt  }
0x84: {  	_ =	shalt  }
0x85: {  	_ =	shalt  }
0x86: {  	_ =	shalt  }
0x87: {  	_ =	shalt  }
.Lfunc_end0:
.L_simem_size_0:
called_computation.1_lowered:
.L_overlay_start_0:
0x88: {  	s2 =	sld [smem:$0x3FD9]  }
0x89: {  	s3 =	sld [smem:$0x3FFE];
	_ =	sdelay $0x1  }
0x8a: {  	s1 =	srdreg.scid  }
0x8b: {  	s0 =	sand.u32 $0x1, s1  }
0x8c: {  	s17 =	sshll.u32 s0, $0xA;
	s2 =	sadd.s32 s3, s2  }
0x8d: {  	s2 =	sadd.s32 s2, s17  }
0x8e: {  	[smem:$0x3FC0] =	sst s2  }
0x8f: {  	_ = 	snop  }
0x90: {  	s2 =	sld [smem:$0x3FC9]  }
0x91: {  	s18 =	sld [smem:$0x3FD0];
	(tm) =	ssettm $0x1  }
0x92: {  	s4 =	sld [smem:$0x3FFB];
	_ =	sdelay $0x3  }
0x93: {  	_ =	strace s4  }
0x94: {  	s4 =	sld [smem:$0x3FFC];
	_ =	sdelay $0x3  }
0x95: {  	_ =	strace s4  }
0x96: {  	s4 =	sld [smem:$0x3FFD];
	_ =	sdelay $0x3  }
0x97: {  	_ =	strace s4  }
0x98: {  	_ =	strace $0x8FFFFFFF  }
0x99: {  	s19 =	sld [smem:$0x3FDB];
	_ =	sdelay $0x1  }
0x9a: {  	s5 =	simm.s32 $_scs_section_size  }
0x9b: {  	s6 =	simm.s32 $_size__tile_overlayer_lowered;
	s7 =	simm.s32 $_tile_overlayer_lowered  }
0x9c: {  	s22 =	simm.s32 $0x1BFF;
	s21 =	sshll.u32 s7, $0x1;
	s4 =	sadd.s32 s5, s19  }
0x9d: {  	s8 =	simm.s32 $0x0;
	s20 =	sshll.u32 s6, $0x1;
	s6 =	sadd.s32 s21, s4  }
0x9e: {  	[timem:s8], [sflag:s22] =	dma.local [hbm:s6], s20  }
0x9f: {  	_ =	swait.ge [sflag:s22], s20  }
0xa0: {  	s5 =	ssub.s32 $0x0, s20;
	[sflag:s22] =	ssyncset.done $0x0  }
0xa1: {  	[sflag:s22] =	ssyncadd.s32 s5;
	_ =	sdelay $0x1  }
0xa2: {  	s23 =	simm.s32 $0x1B8B  }
0xa3: {  	_ =	swait.ge [sflag:s23], $0x1  }
0xa4: {  	[sflag:s23] =	ssyncset.done $0x0  }
0xa5: {  	s25 =	simm.s32 $0x1B8E;
	s24 =	sld [smem:$0x3FFE];
	[sflag:s23] =	ssyncadd.s32 $0xFFFFFFFF  }
0xa6: {  	s26 =	simm.s32 $execute0_lowered;
	[smem:$0x3FD2] =	sst s25  }
0xa7: {  	s6 =	sshll.u32 s26, $0x1;
	_ =	strace $0x80000049;
	[dreg:$0x1] =	wrdreg $0xFFFFFFFF  }
0xa8: {  	s28 =	simm.s32 $_size_execute0_lowered;
	s4 =	sadd.s32 s4, s6;
	[dreg:$0x0] =	wrdreg $0x0  }
0xa9: {  	s6 =	sshll.u32 s28, $0x1;
	[dreg:$0x2] =	wrdreg s4  }
0xaa: {  	[dreg:$0x3] =	wrdreg s6  }
0xab: {  	[dreg:$0x4] =	wrdreg $0xC0  }
0xac: {  	_ =	task [dreg:s8], $0x5FFFF  }
0xad: {  	[dreg:$0x1] =	wrdreg $0xFFFFFFFF  }
0xae: {  	[dreg:$0x0] =	wrdreg $0x60  }
0xaf: {  	[dreg:$0x2] =	wrdreg s2  }
0xb0: {  	[dreg:$0x3] =	wrdreg s24  }
0xb1: {  	[dreg:$0x4] =	wrdreg s18  }
0xb2: {  	[dreg:$0x5] =	wrdreg $0x9  }
0xb3: {  	_ =	task.clear_ibuf [dreg:s8], $0x6FFFF;
	_ =	strace $0x90000049  }
0xb4: {  	s29 =	simm.s32 $0x9;
	_ =	strace $0x8000004B  }
0xb5: {  	_ =	swait.ge [sflag:s29], $0x1  }
0xb6: {  	[sflag:s29] =	ssyncadd.s32 $0xFFFFFFFF  }
0xb7: {  	_ =	strace $0x9000004B  }
0xb8: {  	_ =	sfence  }
0xb9: {  	s30 =	sld [smem:$0x0];
	_ =	sdelay $0x2  }
0xba: {  	s31 =	sshll.u32 s1, $0xD;
	s1 =	sshrl.u32 s1, $0x2  }
0xbb: {  	s3 =	sand.u32 $0x4000, s31;
	s1 =	sadd.s32 s1, s30  }
0xbc: {  	s0 =	sor.u32 s3, s0;
	s1 =	sshll.u32 s1, $0x11  }
0xbd: {  	s0 =	sor.u32 s1, s0  }
0xbe: {  	s0 =	sadd.s32 $0x8F2B, s0  }
0xbf: {  	[sflag:s0] =	ssyncadd.remote.s32 $0x1  }
0xc0: {  	_ =	sfence.sel $0xFFFF  }
0xc1: {  	[dreg:$0x0] =	wrdreg $0xFFFFFFFF;
	(pc) =	sbr.abs _section_cstart, $3  }
0xc2: {  	[dreg:$0x1] =	wrdreg $0xFFFFFFFF  }
0xc3: {  	_ =	task.clear_ibuf [dreg:s8], $0x2FFFF;
	_ =	strace $0x9FFFFFFF  }
0xc4: {  	(tm) =	ssettm $0x7FFFFFFF  }
0xc5: {  	_ =	shalt  }
tec
execute0_lowered:
.L_overlay_start_1:
0x0: {  	(tag) =	ssettag $0x1  }
0x1: {  	s2 =	rddreg [dreg:$0x0]  }
0x2: {  	s7 =	rddreg [dreg:$0x1]  }
0x3: {  	s3 =	rddreg [dreg:$0x2]  }
0x4: {  	s0 =	rddreg [dreg:$0x3];
	s1 =	srdreg.scid;
	_ =	strace $0x8000004A  }
0x5: {  	s4 =	simm.s32 $0x1;
	s9 =	simm.s32 $0x3;
	s5 =	sshll.u32 s1, $0x4  }
.Ltmp0:
0x6: {  	s1 =	stileid.u32;
	s5 =	sand.u32 $0x10, s5;
	(pc) =	sbr.rel .LBB2_1-.Ltmp0, $4  }
0x7: {  	s11 =	simm.s32 $0x0;
	p0 =	por $0x0, $0x0;
	s6 =	sor.u32 s1, s5  }
0x8: {  	[sflag:s4] =	ssyncpa.u1 $0x0;
	s5 =	simm.s32 $0x2;
	s6 =	sshll.u32 s6, $0x6  }
0x9: {  	s7 =	sadd.s32 $0x2200, s7;
	[sflag:s5] =	ssyncpa.u1 $0x0;
	s8 =	sadd.s32 $0x40, s6  }
0xa: {  	vm0 =	vmmov $0xff;
	vm1 =	vcmask $0x3F20;
	[sflag:s9] =	ssyncpa.u1 $0x0;
	s10 =	smov.u32 s6;
	s9 =	simm.s32 $0x0  }
.LBB2_9:
0xb: {  	p1 =	slt.u32 s9, $0x2;
	s11 =	sadd.s32 $0x20, s10  }
0xc: {  	s13 =	smov.u32 s6;
	s9 =	sadd.s32 $0x1, s9;
	p2 =	slt.s32 s11, s8  }
0xd: {  	s13 =	smov.u32 @p2 s11;
	p2 =	sne.s32 s9, $0x4  }
.Ltmp1:
0xe: {  	_ = 	snop;
	(pc) =	sbr.rel @!p2 .LBB2_10-.Ltmp1, $4  }
0xf: {  	s12 =	simm.s32 @!p1 $0x3  }
0x10: {  	_ =	swait.ge @!p1 [sflag:s12], $0x8000  }
0x11: {  	p0 =	por !p0, !p0;
	[sflag:s12] =	ssyncset.done @!p1 $0x0  }
0x12: {  	s11 =	smov.u32 s10;
	s10 =	smov.u32 s13;
	[sflag:s12] =	ssyncadd.s32 @!p1 $0xFFFF8000  }
.LBB2_1:
0x13: {  	p1 =	sgt.u32 s9, $0x1  }
0x14: {  	s12 =	sshll.u32 @!p1 s9, $0x5;
	s13 =	sshrl.u32 @!p1 s10, $0x3  }
0x15: {  	s14 =	sand.u32 @!p1 $0x7, s10;
	s12 =	sxor.u32 @!p1 $0x20, s12;
	s13 =	sadd.s32 @!p1 s7, s13  }
0x16: {  	[tilespmem:s12], [sflag:$0x2] =	stream.linear.gather @!p1 [hbm4b:s13+s14], $0x20, $0x38;
	[tilespmem:$0x10040] =	vst v63  }
0x17: {  	p1 =	seq.s32 s9, $0x0  }
0x18: {  	p2 =	seq.s32 @!p1 s9, $0x3  }
0x19: {  	p1 =	por p1, p2  }
.Ltmp2:
0x1a: {  	_ = 	snop;
	(pc) =	sbr.rel @p1 .LBB2_9-.Ltmp2, $1  }
0x1b: {  	_ =	sdelay $0x3  }
0x1c: {  	s12 =	simm.s32 $0x1  }
0x1d: {  	_ =	swait.ge [sflag:s5], $0x20;
	s13 =	sand.u32 $0x1, s9;
	s12 =	simm.s32 @!p0 $0x0  }
0x1e: {  	s15 =	simm.s32 $0x0;
	p2 =	por $0x1, $0x1;
	s12 =	sshll.u32 s12, $0x11  }
0x1f: {  	[sflag:s5] =	ssyncset.done $0x0;
	s13 =	sshll.u32 s13, $0x5;
	s14 =	sshrl.u32 s12, $0x2  }
0x20: {  	[sflag:s5] =	ssyncadd.s32 $0xFFFFFFE0;
	s12 =	sor.u32 $0x40, s14;
	s14 =	sadd.s32 $0x40, s14  }
.LBB2_3:
0x21: {  	s16 =	sshll.u32 s15, $0x4  }
0x22: {  	s16 =	sand.u32 $0x3FFFFFF0, s16  }
0x23: {  	s16 =	sadd.s32 s16, s13  }
0x24: {  	v0 =	vld.msk [tilespmem:s16+$0x0 ss:$0x1], $0xffff;
	_ =	sdelay $0x4  }
0x25: {  	vm2 =	vgt.s32 v0, $0x0  }
0x26: {  	v0 =	vnsel vm2, $0x0, v0  }
0x27: {  	v0 =	vmin.u32 v0, $0x7FF  }
0x28: {  	v1 =	vshll.u32 v0, $0x7;
	v0 =	vshll.u32 v0, $0x4  }
0x29: {  	v1 =	vand.u32 $0x3FC00, v1;
	v0 =	vand.u32 $0x70, v0  }
0x2a: {  	v0 =	vor.u32 v0, v1  }
0x2b: {  	s31 =	sshll.u32 s15, $0x10  }
0x2c: {  	s15 =	sshra.s32 s31, $0x2  }
0x2d: {  	s15 =	sadd.s32 s15, s14  }
0x2e: {  	s17 =	sadd.s32 $0x0, s15  }
0x2f: {  	[tilespmem:s17], [sflag:$0x1] =	stream.indirect_vreg.gather [hbm:s2], $0x80, v0, vm0, $0x38;
	[tilespmem:$0x10040] =	vst v63  }
0x30: {  	p1 =	por p2, p2;
	s16 =	simm.s32 $0x1000;
	v1 =	vadd.s32 $0x80, v0;
	s17 =	sadd.s32 $0x2000, s17  }
.LBB2_4:
0x31: {  	[tilespmem:s17], [sflag:$0x1] =	stream.indirect_vreg.gather [hbm:s2], $0x80, v0, vm1, $0x38;
	[tilespmem:$0x10040] =	vst v63  }
0x32: {  	v0 =	vmov v1;
	s17 =	smov.u32 s16;
	p2 =	sne.s32 s16, $0x7000  }
.Ltmp3:
0x33: {  	s16 =	sadd.s32 $0x1000, s16;
	(pc) =	sbr.rel @p2 .LBB2_4-.Ltmp3, $4  }
0x34: {  	s17 =	sshra.s32 s17, $0x2  }
0x35: {  	s17 =	sadd.s32 s17, s15  }
0x36: {  	[tilespmem:s17], [sflag:$0x1] =	stream.indirect_vreg.gather [hbm:s2], $0x80, v1, vm0, $0x38;
	[tilespmem:$0x10040] =	vst v63  }
0x37: {  	s17 =	sadd.s32 $0x2000, s17;
	v1 =	vadd.s32 $0x80, v1  }
0x38: {  	_ = 	snop  }
.Ltmp4:
0x39: {  	_ = 	snop;
	(pc) =	sbr.rel @p1 .LBB2_3-.Ltmp4, $3  }
0x3a: {  	_ =	sdelay $0x1  }
0x3b: {  	[tilespmem:s17], [sflag:$0x1] =	stream.indirect_vreg.gather [hbm:s2], $0x80, v0, vm1, $0x38;
	[tilespmem:$0x10040] =	vst v63  }
0x3c: {  	s15 =	simm.s32 $0x1;
	p2 =	por $0x0, $0x0  }
0x3d: {  	s13 =	sshll.u32 s11, $0x7  }
0x3e: {  	s31 =	sshll.u32 s11, $0x4;
	s13 =	sand.u32 $0xFFFFFC00, s13  }
0x3f: {  	_ =	swait.ge [sflag:s4], $0x8000;
	s11 =	sand.u32 $0x70, s31;
	s13 =	sadd.s32 s13, s3  }
0x40: {  	s14 =	sadd.s32 $0x2000, s12;
	[sflag:s4] =	ssyncset.done $0x0;
	s11 =	sadd.s32 s11, s13  }
0x41: {  	[sflag:s4] =	ssyncadd.s32 $0xFFFF8000;
	s13 =	simm.s32 $0x400;
	s15 =	sadd.s32 $0x0, s11  }
.LBB2_7:
0x42: {  	[hbm:s15] =	stream.linear.scatter [tilespmem:s12], [sflag:$0x3], $0x2000, $0x38;
	[tilespmem:$0x10040] =	vst v63  }
0x43: {  	s15 =	smov.u32 s13;
	s12 =	smov.u32 s14;
	p1 =	sne.s32 s13, $0xC00  }
.Ltmp5:
0x44: {  	s13 =	sadd.s32 $0x400, s13;
	(pc) =	sbr.rel @p1 .LBB2_7-.Ltmp5, $2  }
0x45: {  	_ =	sdelay $0x2  }
0x46: {  	s14 =	sadd.s32 $0x2000, s14;
	s15 =	sadd.s32 s15, s11  }
.Ltmp6:
0x47: {  	(pc) =	sbr.rel .LBB2_9-.Ltmp6, $2  }
0x48: {  	_ =	sdelay $0x2  }
0x49: {  	[hbm:s15] =	stream.linear.scatter [tilespmem:s12], [sflag:$0x3], $0x2000, $0x38;
	[tilespmem:$0x10040] =	vst v63  }
.LBB2_10:
0x4a: {  	_ =	sfence.sel $0x180000  }
0x4b: {  	s2 =	simm.s32 $0x2;
	[bflag:$0x0] =	sbarrier.arrive $0xFFFF  }
0x4c: {  	s30 =	simm.s32 $0x3;
	[sflag:s2] =	ssyncpa.u1 $0x1  }
0x4d: {  	s31 =	simm.s32 $0x1;
	[sflag:s30] =	ssyncpa.u1 $0x1  }
0x4e: {  	[sflag:s31] =	ssyncpa.u1 $0x1  }
0x4f: {  	p0 =	sne.s32 s1, $0x0;
	_ =	strace $0x9000004A  }
0x50: {  	s0 =	sadd.s32 @!p0 $0x100000, s0;
	[bflag:$0x2] =	sbarrier.arrive $0xFFFF  }
0x51: {  	[sflag:s0] =	ssyncadd.tile.s32 @!p0 $0x1;
	_ =	shalt  }
.Lfunc_end2:
_tile_overlayer_lowered:
.L_overlay_start_2:
0x52: {  	(tag) =	ssettag $0x2  }
0x53: {  	s0 =	rddreg [dreg:$0x0];
	s2 =	stileid.u32  }
0x54: {  	s1 =	rddreg [dreg:$0x1];
	p0 =	sne.s32 s2, $0x0  }
0x55: {  	s3 =	rddreg [dreg:$0x2];
	[bflag:$0x3] =	sbarrier.arrive $0xFFFF;
	s2 =	simm.s32 @!p0 $0x1C01  }
0x56: {  	[timem:s3], [sflag:s2] =	dma.local @!p0 [hbm:s0], s1  }
0x57: {  	s0 =	simm.s32 @!p0 $0x1  }
0x58: {  	_ =	swait.ge @!p0 [sflag:s0], s1  }
0x59: {  	s1 =	ssub.s32 @!p0 $0x0, s1;
	[sflag:s0] =	ssyncset.done @!p0 $0x0  }
0x5a: {  	[sflag:s0] =	ssyncadd.s32 @!p0 s1  }
0x5b: {  	[bflag:$0x3] =	sbarrier.arrive $0xFFFF  }
0x5c: {  	_ =	shalt  }

// kernel: scatter_offload_async_start
scs
__scs_entry_jumppad:
0x0: {  	(pc) =	sbr.rel $0x88, $3  }
0x1: {  	(tag) =	ssettag $0x0;
	lr =	simm.s32 $0x1  }
0x2: {  	[smem:$0x3F99] =	sst lr;
	_ =	strace $0xD0000000  }
0x3: {  	_ = 	snop  }
0x4: {  	_ = 	snop  }
0x5: {  	_ = 	snop  }
0x6: {  	_ = 	snop  }
0x7: {  	_ = 	snop  }
__scs_overlays_trampoline_lowered:
0x8: {  	[smem:$0x3FA8] =	sst s0  }
0x9: {  	[smem:$0x3FA9] =	sst s1  }
0xa: {  	[smem:$0x3FAA] =	sst s2  }
0xb: {  	[smem:$0x3FAB] =	sst s3  }
0xc: {  	[smem:$0x3FAC] =	sst s4  }
0xd: {  	[smem:$0x3FAD] =	sst s5  }
0xe: {  	[smem:$0x3FAE] =	sst s6  }
0xf: {  	[smem:$0x3FAF] =	sst s7  }
0x10: {  	[smem:$0x3FB0] =	sst s8  }
0x11: {  	[smem:$0x3FB1] =	sst s9;
	s0 =	simm.s32 @!p0 $0x0  }
0x12: {  	s1 =	sld [smem:$0x3F97];
	s0 =	simm.s32 @p0 $0x1  }
0x13: {  	[smem:$0x3FB2] =	sst s0;
	s0 =	simm.s32 @!p1 $0x0  }
0x14: {  	s2 =	sld [smem:$0x3F96];
	s0 =	simm.s32 @p1 $0x1  }
0x15: {  	[smem:$0x3FB3] =	sst s0;
	s0 =	simm.s32 @!p2 $0x0  }
0x16: {  	s3 =	sld [smem:$0x3FDB];
	s0 =	simm.s32 @p2 $0x1  }
0x17: {  	s4 =	simm.s32 $0x1BF5;
	[smem:$0x3FB5] =	sst s0  }
0x18: {  	s0 =	sld [smem:$0x3F98];
	_ =	swait.ge [sflag:s4], $0x0  }
0x19: {  	s7 =	sld [smem:$0x3F99]  }
0x1a: {  	s8 =	sadd.s32 $0xFFFFE003, lr  }
0x1b: {  	s9 =	sadd.s32 $0xFFFFFEF7, lr;
	s5 =	simm.s32 $0xFFFFFFFF;
	p2 =	slt.u32 s8, $0xFFFFF086  }
0x1c: {  	p1 =	slt.u32 s9, $0xF7A;
	s5 =	simm.s32 @!p2 $0x0  }
0x1d: {  	s5 =	simm.s32 @p1 $0x1;
	p0 =	seq.s32 s7, s2  }
0x1e: {  	s7 =	smul.u32 @!p0 $0xF7A, s2;
	p2 =	seq.s32 @!p0 s5, $0x0  }
0x1f: {  	s9 =	smul.u32 $0xF7A, s1;
	s8 =	simm.s32 @!p0 $0x1BF5;
	p2 =	por !p2, p0  }
0x20: {  	[sflag:s8] =	ssyncset.s32 @!p0 $0xFFFFF086;
	s6 =	sadd.s32 @!p0 s3, s7;
	s7 =	simm.s32 @!p0 $0x108  }
0x21: {  	s3 =	sadd.s32 s3, s9;
	s6 =	sadd.s32 @!p0 $0x88, s6;
	s7 =	simm.s32 @p2 $0x1082  }
0x22: {  	[simem:s7], [sflag:s8] =	dma.local @!p0 [hbm:s6], $0xF7A  }
0x23: {  	s9 =	sor.u32 $0xD0000000, s2;
	s6 =	simm.s32 $0x108;
	_ =	swait.ge @!p0 [sflag:s8], $0x0  }
0x24: {  	s3 =	sadd.s32 $0x88, s3;
	s6 =	simm.s32 @!p1 $0x1082;
	[sflag:s4] =	ssyncset.s32 $0xFFFFF086  }
0x25: {  	[simem:s6], [sflag:s4] =	dma.local [hbm:s3], $0xF7A  }
0x26: {  	[smem:$0x3F99] =	sst s1;
	(tag) =	ssettag s2;
	_ =	strace s9  }
0x27: {  	s1 =	sld [smem:$0x3FA9]  }
0x28: {  	s2 =	sld [smem:$0x3FAA]  }
0x29: {  	s4 =	sld [smem:$0x3FAC]  }
0x2a: {  	p0 =	seq.s32 s5, $0x0;
	s5 =	sld [smem:$0x3FAD]  }
0x2b: {  	s6 =	sld [smem:$0x3FAE]  }
0x2c: {  	s7 =	sld [smem:$0x3FAF]  }
0x2d: {  	s3 =	simm.s32 $0x108;
	s8 =	sld [smem:$0x3FB0]  }
0x2e: {  	s3 =	simm.s32 @!p0 $0x1082;
	s9 =	sld [smem:$0x3FB1]  }
0x2f: {  	lr =	sadd.s32 s0, s3;
	s0 =	sld [smem:$0x3FA8]  }
0x30: {  	s3 =	sld [smem:$0x3FAB]  }
0x31: {  	[smem:$0x3FB4] =	sst s10  }
0x32: {  	s10 =	sld [smem:$0x3FB2];
	_ =	sdelay $0x3  }
0x33: {  	p0 =	seq.s32 s10, $0x1;
	s10 =	sld [smem:$0x3FB4];
	_ =	sdelay $0x3  }
0x34: {  	[smem:$0x3FB4] =	sst s10  }
0x35: {  	s10 =	sld [smem:$0x3FB3];
	_ =	sdelay $0x3  }
0x36: {  	p1 =	seq.s32 s10, $0x1;
	s10 =	sld [smem:$0x3FB4];
	_ =	sdelay $0x3  }
0x37: {  	[smem:$0x3FB4] =	sst s10  }
0x38: {  	s10 =	sld [smem:$0x3FB5]  }
0x39: {  	_ = 	snop;
	(pc) =	sbr.ind lr, $3  }
0x3a: {  	_ = 	snop  }
0x3b: {  	_ = 	snop  }
0x3c: {  	p2 =	seq.s32 s10, $0x1;
	s10 =	sld [smem:$0x3FB4]  }
0x3d: {  	_ =	shalt  }
0x3e: {  	_ =	shalt  }
0x3f: {  	_ =	shalt  }
0x40: {  	_ =	shalt  }
0x41: {  	_ =	shalt  }
0x42: {  	_ =	shalt  }
0x43: {  	_ =	shalt  }
0x44: {  	_ =	shalt  }
0x45: {  	_ =	shalt  }
0x46: {  	_ =	shalt  }
0x47: {  	_ =	shalt  }
0x48: {  	_ =	shalt  }
0x49: {  	_ =	shalt  }
0x4a: {  	_ =	shalt  }
0x4b: {  	_ =	shalt  }
0x4c: {  	_ =	shalt  }
0x4d: {  	_ =	shalt  }
0x4e: {  	_ =	shalt  }
0x4f: {  	_ =	shalt  }
0x50: {  	_ =	shalt  }
0x51: {  	_ =	shalt  }
0x52: {  	_ =	shalt  }
0x53: {  	_ =	shalt  }
0x54: {  	_ =	shalt  }
0x55: {  	_ =	shalt  }
0x56: {  	_ =	shalt  }
0x57: {  	_ =	shalt  }
0x58: {  	_ =	shalt  }
0x59: {  	_ =	shalt  }
0x5a: {  	_ =	shalt  }
0x5b: {  	_ =	shalt  }
0x5c: {  	_ =	shalt  }
0x5d: {  	_ =	shalt  }
0x5e: {  	_ =	shalt  }
0x5f: {  	_ =	shalt  }
0x60: {  	_ =	shalt  }
0x61: {  	_ =	shalt  }
0x62: {  	_ =	shalt  }
0x63: {  	_ =	shalt  }
0x64: {  	_ =	shalt  }
0x65: {  	_ =	shalt  }
0x66: {  	_ =	shalt  }
0x67: {  	_ =	shalt  }
0x68: {  	_ =	shalt  }
0x69: {  	_ =	shalt  }
0x6a: {  	_ =	shalt  }
0x6b: {  	_ =	shalt  }
0x6c: {  	_ =	shalt  }
0x6d: {  	_ =	shalt  }
0x6e: {  	_ =	shalt  }
0x6f: {  	_ =	shalt  }
0x70: {  	_ =	shalt  }
0x71: {  	_ =	shalt  }
0x72: {  	_ =	shalt  }
0x73: {  	_ =	shalt  }
0x74: {  	_ =	shalt  }
0x75: {  	_ =	shalt  }
0x76: {  	_ =	shalt  }
0x77: {  	_ =	shalt  }
0x78: {  	_ =	shalt  }
0x79: {  	_ =	shalt  }
0x7a: {  	_ =	shalt  }
0x7b: {  	_ =	shalt  }
0x7c: {  	_ =	shalt  }
0x7d: {  	_ =	shalt  }
0x7e: {  	_ =	shalt  }
0x7f: {  	_ =	shalt  }
0x80: {  	_ =	shalt  }
0x81: {  	_ =	shalt  }
0x82: {  	_ =	shalt  }
0x83: {  	_ =	shalt  }
0x84: {  	_ =	shalt  }
0x85: {  	_ =	shalt  }
0x86: {  	_ =	shalt  }
0x87: {  	_ =	shalt  }
.Lfunc_end0:
.L_simem_size_0:
called_computation_lowered:
.L_overlay_start_0:
0x88: {  	s0 =	sld [smem:$0x3FD9]  }
0x89: {  	s1 =	sld [smem:$0x3FFE];
	_ =	sdelay $0x3  }
0x8a: {  	s0 =	sadd.s32 s1, s0  }
0x8b: {  	[smem:$0x3FC0] =	sst s0  }
0x8c: {  	_ = 	snop  }
0x8d: {  	s0 =	sld [smem:$0x3FD0];
	(tm) =	ssettm $0x1  }
0x8e: {  	s16 =	sld [smem:$0x3FFB];
	_ =	sdelay $0x3  }
0x8f: {  	_ =	strace s16  }
0x90: {  	s1 =	sld [smem:$0x3FFC];
	_ =	sdelay $0x3  }
0x91: {  	_ =	strace s1  }
0x92: {  	s1 =	sld [smem:$0x3FFD];
	_ =	sdelay $0x3  }
0x93: {  	_ =	strace s1  }
0x94: {  	_ =	strace $0x8FFFFFFF  }
0x95: {  	s17 =	sld [smem:$0x3FDB];
	_ =	sdelay $0x1  }
0x96: {  	s2 =	simm.s32 $_scs_section_size  }
0x97: {  	s3 =	simm.s32 $_size__tile_overlayer_lowered;
	s4 =	simm.s32 $_tile_overlayer_lowered  }
0x98: {  	s20 =	simm.s32 $0x1BFF;
	s19 =	sshll.u32 s4, $0x1;
	s1 =	sadd.s32 s2, s17  }
0x99: {  	s5 =	simm.s32 $0x0;
	s18 =	sshll.u32 s3, $0x1;
	s3 =	sadd.s32 s19, s1  }
0x9a: {  	[timem:s5], [sflag:s20] =	dma.local [hbm:s3], s18  }
0x9b: {  	_ =	swait.ge [sflag:s20], s18  }
0x9c: {  	s2 =	ssub.s32 $0x0, s18;
	[sflag:s20] =	ssyncset.done $0x0  }
0x9d: {  	[sflag:s20] =	ssyncadd.s32 s2;
	_ =	sdelay $0x1  }
0x9e: {  	s21 =	simm.s32 $0x1B8B  }
0x9f: {  	_ =	swait.ge [sflag:s21], $0x1  }
0xa0: {  	[sflag:s21] =	ssyncset.done $0x0  }
0xa1: {  	s23 =	simm.s32 $0x1B8E;
	s22 =	sld [smem:$0x3FFE];
	[sflag:s21] =	ssyncadd.s32 $0xFFFFFFFF  }
0xa2: {  	s24 =	simm.s32 $execute0_lowered;
	[smem:$0x3FD2] =	sst s23  }
0xa3: {  	s3 =	sshll.u32 s24, $0x1;
	_ =	strace $0x80000046;
	[dreg:$0x1] =	wrdreg $0xFFFFFFFF  }
0xa4: {  	s25 =	simm.s32 $_size_execute0_lowered;
	s1 =	sadd.s32 s1, s3;
	[dreg:$0x0] =	wrdreg $0x0  }
0xa5: {  	s3 =	sshll.u32 s25, $0x1;
	[dreg:$0x2] =	wrdreg s1  }
0xa6: {  	[dreg:$0x3] =	wrdreg s3  }
0xa7: {  	[dreg:$0x4] =	wrdreg $0xC0  }
0xa8: {  	_ =	task [dreg:s5], $0x5FFFF  }
0xa9: {  	[dreg:$0x1] =	wrdreg $0xFFFFFFFF  }
0xaa: {  	[dreg:$0x0] =	wrdreg $0x60  }
0xab: {  	[dreg:$0x2] =	wrdreg s22  }
0xac: {  	[dreg:$0x3] =	wrdreg s0  }
0xad: {  	[dreg:$0x4] =	wrdreg $0x9  }
0xae: {  	_ =	task.clear_ibuf [dreg:s5], $0x5FFFF;
	_ =	strace $0x90000046  }
0xaf: {  	s26 =	simm.s32 $0x9;
	_ =	strace $0x80000048  }
0xb0: {  	_ =	swait.ge [sflag:s26], $0x1  }
0xb1: {  	[sflag:s26] =	ssyncadd.s32 $0xFFFFFFFF  }
0xb2: {  	_ =	strace $0x90000048  }
0xb3: {  	_ =	sfence  }
0xb4: {  	s28 =	sld [smem:$0x0];
	_ =	sdelay $0x1  }
0xb5: {  	s29 =	srdreg.scid  }
0xb6: {  	s30 =	sshll.u32 s29, $0xD;
	s31 =	sshrl.u32 s29, $0x2  }
0xb7: {  	s2 =	sand.u32 $0x4000, s30;
	s1 =	sand.u32 $0x1, s29;
	s0 =	sadd.s32 s31, s28  }
0xb8: {  	s1 =	sor.u32 s2, s1;
	s0 =	sshll.u32 s0, $0x11  }
0xb9: {  	s0 =	sor.u32 s0, s1  }
0xba: {  	s0 =	sadd.s32 $0x8F2B, s0  }
0xbb: {  	[sflag:s0] =	ssyncadd.remote.s32 $0x1  }
0xbc: {  	_ =	sfence.sel $0xFFFF  }
0xbd: {  	[dreg:$0x0] =	wrdreg $0xFFFFFFFF;
	(pc) =	sbr.abs _section_cstart, $3  }
0xbe: {  	[dreg:$0x1] =	wrdreg $0xFFFFFFFF  }
0xbf: {  	_ =	task.clear_ibuf [dreg:s5], $0x2FFFF;
	_ =	strace $0x9FFFFFFF  }
0xc0: {  	(tm) =	ssettm $0x7FFFFFFF  }
0xc1: {  	_ =	shalt  }
tec
execute0_lowered:
.L_overlay_start_1:
0x0: {  	(tag) =	ssettag $0x1  }
0x1: {  	s3 =	rddreg [dreg:$0x0]  }
0x2: {  	s4 =	rddreg [dreg:$0x1]  }
0x3: {  	s0 =	rddreg [dreg:$0x2];
	_ =	strace $0x80000047;
	s5 =	stileid.u32  }
0x4: {  	s6 =	simm.s32 $0x3E;
	s1 =	sadd.s32 $0x8600, s3;
	p0 =	sne.s32 s5, $0x0  }
0x5: {  	[sflag:s6] =	ssyncpa.u1 $0x0;
	s7 =	simm.s32 @!p0 $0x1C3E;
	s2 =	simm.s32 @!p0 $0x0  }
0x6: {  	[spmem:s2], [sflag:s7] =	dma.local @!p0 [hbm:s1], $0x10  }
0x7: {  	s7 =	simm.s32 @!p0 $0x3E  }
0x8: {  	_ =	swait.ge @!p0 [sflag:s7], $0x10  }
0x9: {  	[sflag:s7] =	ssyncset.done @!p0 $0x0  }
0xa: {  	[sflag:s7] =	ssyncadd.s32 @!p0 $0xFFFFFFF0  }
0xb: {  	s13 =	simm.s32 $0x1;
	s14 =	simm.s32 $0x2;
	[bflag:$0x0] =	sbarrier.arrive $0xFFFF  }
0xc: {  	s8 =	simm.s32 $0x0;
	s9 =	simm.s32 $0x88;
	[sflag:s6] =	ssyncpa.u1 $0x1  }
0xd: {  	s3 =	sadd.s32 $0x8800, s3;
	s5 =	sshll.u32 s5, $0x4;
	[sflag:s13] =	ssyncpa.u1 $0x0  }
0xe: {  	s4 =	sadd.s32 s4, s5;
	(ifvalue) =	ssetifvalue $0x80;
	[sflag:s14] =	ssyncpa.u1 $0x0  }
0xf: {  	[tilespmem:s9], [sflag:$0x2] =	stream.linear.gather [hbm4b:s4+s8], $0x80, $0x38;
	[tilespmem:$0x208] =	vst v63  }
0x10: {  	s15 =	simm.s32 $0x188;
	s3 =	sadd.s32 s3, s5  }
0x11: {  	[tilespmem:s15], [sflag:$0x2] =	stream.linear.gather [hbm4b:s3+s8], $0x80, $0x38;
	[tilespmem:$0x208] =	vst v63  }
0x12: {  	_ =	swait.ge [sflag:s14], $0x100  }
0x13: {  	[sflag:s14] =	ssyncset.done $0x0  }
0x14: {  	[sflag:s14] =	ssyncadd.s32 $0xFFFFFF00  }
0x15: {  	v0 =	vld.msk [tilespmem:s9+$0x0 ss:$0x1], $0xffff;
	_ =	sdelay $0x4  }
0x16: {  	v0 =	vmin.u32 v0, $0x80;
	_ =	sdelay $0x3  }
0x17: {  	vm0 =	vmmov $0xffff;
	s16 =	simm.s32 $0x98  }
0x18: {  	[spmem:s8] =	stream.indirect_vreg.scatter.add.s32 [tilespmem:s15], [sflag:$0x1], $0x1, v0, vm0, $0x4038;
	[tilespmem:$0x208] =	vst v63  }
0x19: {  	v0 =	vld.msk [tilespmem:s16+$0x0 ss:$0x1], $0xffff;
	_ =	sdelay $0x4  }
0x1a: {  	v0 =	vmin.u32 v0, $0x80;
	_ =	sdelay $0x3  }
0x1b: {  	s17 =	simm.s32 $0x198;
	s18 =	simm.s32 $0xA8  }
0x1c: {  	[spmem:s8] =	stream.indirect_vreg.scatter.add.s32 [tilespmem:s17], [sflag:$0x1], $0x1, v0, vm0, $0x4038;
	[tilespmem:$0x208] =	vst v63  }
0x1d: {  	v0 =	vld.msk [tilespmem:s18+$0x0 ss:$0x1], $0xffff;
	_ =	sdelay $0x4  }
0x1e: {  	v0 =	vmin.u32 v0, $0x80;
	_ =	sdelay $0x3  }
0x1f: {  	s19 =	simm.s32 $0x1A8;
	s20 =	simm.s32 $0xB8  }
0x20: {  	[spmem:s8] =	stream.indirect_vreg.scatter.add.s32 [tilespmem:s19], [sflag:$0x1], $0x1, v0, vm0, $0x4038;
	[tilespmem:$0x208] =	vst v63  }
0x21: {  	v0 =	vld.msk [tilespmem:s20+$0x0 ss:$0x1], $0xffff;
	_ =	sdelay $0x4  }
0x22: {  	v0 =	vmin.u32 v0, $0x80;
	_ =	sdelay $0x3  }
0x23: {  	s21 =	simm.s32 $0x1B8;
	s22 =	simm.s32 $0xC8  }
0x24: {  	[spmem:s8] =	stream.indirect_vreg.scatter.add.s32 [tilespmem:s21], [sflag:$0x1], $0x1, v0, vm0, $0x4038;
	[tilespmem:$0x208] =	vst v63  }
0x25: {  	v0 =	vld.msk [tilespmem:s22+$0x0 ss:$0x1], $0xffff;
	_ =	sdelay $0x4  }
0x26: {  	v0 =	vmin.u32 v0, $0x80;
	_ =	sdelay $0x3  }
0x27: {  	s23 =	simm.s32 $0x1C8;
	s24 =	simm.s32 $0xD8  }
0x28: {  	[spmem:s8] =	stream.indirect_vreg.scatter.add.s32 [tilespmem:s23], [sflag:$0x1], $0x1, v0, vm0, $0x4038;
	[tilespmem:$0x208] =	vst v63  }
0x29: {  	v0 =	vld.msk [tilespmem:s24+$0x0 ss:$0x1], $0xffff;
	_ =	sdelay $0x4  }
0x2a: {  	v0 =	vmin.u32 v0, $0x80;
	_ =	sdelay $0x3  }
0x2b: {  	s25 =	simm.s32 $0x1D8;
	s26 =	simm.s32 $0xE8  }
0x2c: {  	[spmem:s8] =	stream.indirect_vreg.scatter.add.s32 [tilespmem:s25], [sflag:$0x1], $0x1, v0, vm0, $0x4038;
	[tilespmem:$0x208] =	vst v63  }
0x2d: {  	v0 =	vld.msk [tilespmem:s26+$0x0 ss:$0x1], $0xffff;
	_ =	sdelay $0x4  }
0x2e: {  	v0 =	vmin.u32 v0, $0x80;
	_ =	sdelay $0x3  }
0x2f: {  	s28 =	simm.s32 $0x1E8;
	s29 =	simm.s32 $0xF8  }
0x30: {  	[spmem:s8] =	stream.indirect_vreg.scatter.add.s32 [tilespmem:s28], [sflag:$0x1], $0x1, v0, vm0, $0x4038;
	[tilespmem:$0x208] =	vst v63  }
0x31: {  	v0 =	vld.msk [tilespmem:s29+$0x0 ss:$0x1], $0xffff;
	_ =	sdelay $0x4  }
0x32: {  	v0 =	vmin.u32 v0, $0x80;
	_ =	sdelay $0x3  }
0x33: {  	s30 =	simm.s32 $0x1F8  }
0x34: {  	[spmem:s8] =	stream.indirect_vreg.scatter.add.s32 [tilespmem:s30], [sflag:$0x1], $0x1, v0, vm0, $0x4038;
	[tilespmem:$0x208] =	vst v63  }
0x35: {  	_ =	swait.ge [sflag:s13], $0x80  }
0x36: {  	[sflag:s13] =	ssyncset.done $0x0  }
0x37: {  	[sflag:s13] =	ssyncadd.s32 $0xFFFFFF80  }
0x38: {  	_ =	sfence.sel $0x180000  }
0x39: {  	[bflag:$0x0] =	sbarrier.arrive $0xFFFF  }
0x3a: {  	[sflag:s14] =	ssyncpa.u1 $0x1  }
0x3b: {  	[sflag:s13] =	ssyncpa.u1 $0x1  }
0x3c: {  	_ =	sfence.stream.spmem  }
0x3d: {  	s31 =	simm.s32 $0x3D;
	[bflag:$0x0] =	sbarrier.arrive $0xFFFF  }
0x3e: {  	s3 =	simm.s32 @p0 $0x3D;
	[sflag:s31] =	ssyncpa.u1 $0x0  }
0x3f: {  	[sflag:s3] =	ssyncpa.u1 @p0 $0x1  }
0x40: {  	[bflag:$0x0] =	sbarrier.arrive @p0 $0xFFFF  }
0x41: {  	_ =	strace @p0 $0x90000047  }
0x42: {  	s3 =	simm.s32 @!p0 $0x1C3D;
	[bflag:$0x2] =	sbarrier.arrive @p0 $0xFFFF  }
0x43: {  	[hbm:s1], [sflag:s3] =	dma.local @!p0 [spmem:s2], $0x10  }
0x44: {  	s1 =	simm.s32 @!p0 $0x3D  }
0x45: {  	_ =	swait.ge @!p0 [sflag:s1], $0x10  }
0x46: {  	[sflag:s1] =	ssyncset.done @!p0 $0x0  }
0x47: {  	[sflag:s1] =	ssyncadd.s32 @!p0 $0xFFFFFFF0  }
0x48: {  	[sflag:s1] =	ssyncpa.u1 @!p0 $0x1  }
0x49: {  	[bflag:$0x0] =	sbarrier.arrive @!p0 $0xFFFF  }
0x4a: {  	_ =	strace @!p0 $0x90000047  }
0x4b: {  	s0 =	sadd.s32 @!p0 $0x100000, s0;
	[bflag:$0x2] =	sbarrier.arrive @!p0 $0xFFFF  }
0x4c: {  	[sflag:s0] =	ssyncadd.tile.s32 @!p0 $0x1;
	_ =	shalt  }
.Lfunc_end2:
_tile_overlayer_lowered:
.L_overlay_start_2:
0x4d: {  	(tag) =	ssettag $0x2  }
0x4e: {  	s0 =	rddreg [dreg:$0x0];
	s2 =	stileid.u32  }
0x4f: {  	s1 =	rddreg [dreg:$0x1];
	p0 =	sne.s32 s2, $0x0  }
0x50: {  	s3 =	rddreg [dreg:$0x2];
	[bflag:$0x3] =	sbarrier.arrive $0xFFFF;
	s2 =	simm.s32 @!p0 $0x1C01  }
0x51: {  	[timem:s3], [sflag:s2] =	dma.local @!p0 [hbm:s0], s1  }
0x52: {  	s0 =	simm.s32 @!p0 $0x1  }
0x53: {  	_ =	swait.ge @!p0 [sflag:s0], s1  }
0x54: {  	s1 =	ssub.s32 @!p0 $0x0, s1;
	[sflag:s0] =	ssyncset.done @!p0 $0x0  }
0x55: {  	[sflag:s0] =	ssyncadd.s32 @!p0 s1  }
0x56: {  	[bflag:$0x3] =	sbarrier.arrive $0xFFFF  }
0x57: {  	_ =	shalt  }

</sc_bundles>
